<compile_context>
chip_gen: v7x
topology: tpu7x:2x2x1
jax: 0.10.2.dev20260603
libtpu: 0.0.44.dev20260713+nightly
codegen_flags: <defaults>
</compile_context>

<pallas_src>
import jax
import jax.numpy as jnp
from jax.experimental import pallas as pl
from jax.experimental.pallas import tpu as pltpu

_NEG_POS_RATIO = 3.0


def _mbloss_chunk(conf_ref, lab_ref, ploc_ref, gloc_ref,
                  cls_ref, sl1o_ref, npo_ref,
                  nv_ref, npos_ref, posce_ref, sl1_ref):
    b = pl.program_id(0)
    B = pl.num_programs(0)

    x = conf_ref[0].astype(jnp.float32)
    C, P = x.shape
    s = jnp.sum(jnp.exp(x), axis=0, keepdims=True)
    lse = jnp.log(s)

    lab = lab_ref[pl.ds(b, 1), :]
    pos = lab > 0

    cls = jax.lax.broadcasted_iota(jnp.int32, x.shape, 0)
    clabel = jnp.sum(jnp.where(cls == lab, x, 0.0), axis=0, keepdims=True)
    v = lse - clabel

    nv_ref[pl.ds(b, 1), :] = jnp.where(pos, -1.0, v)

    npos_b = jnp.sum(jnp.where(pos, 1.0, 0.0))
    posce_b = jnp.sum(jnp.where(pos, v, 0.0))
    d = ploc_ref[0] - gloc_ref[0]
    ad = jnp.abs(d)
    sl1 = jnp.where(ad < 1.0, 0.5 * d * d, ad - 0.5)
    sl1_b = jnp.sum(jnp.where(pos, sl1, 0.0))

    npos_ref[pl.ds(b, 1), :] = jnp.full((1, 128), npos_b, jnp.float32)
    posce_ref[pl.ds(b, 1), :] = jnp.full((1, 128), posce_b, jnp.float32)
    sl1_ref[pl.ds(b, 1), :] = jnp.full((1, 128), sl1_b, jnp.float32)

    @pl.when(b == B - 1)
    def _finalize():
        nv = nv_ref[...]
        npos = npos_ref[:, 0:1]
        k = jnp.minimum(_NEG_POS_RATIO * npos, float(P) - npos)
        ki = k.astype(jnp.int32)

        iv = jax.lax.bitcast_convert_type(nv, jnp.int32)
        t = jnp.zeros((nv.shape[0], 1), jnp.int32)
        for bit in range(30, -1, -1):
            t2 = t | (1 << bit)
            cnt = jnp.sum((iv >= t2).astype(jnp.int32), axis=1, keepdims=True)
            t = jnp.where(cnt >= ki, t2, t)
        vk = jax.lax.bitcast_convert_type(t, jnp.float32)
        gt = iv > t
        cnt_gt = jnp.sum(gt.astype(jnp.float32), axis=1, keepdims=True)
        sum_gt = jnp.sum(jnp.where(gt, nv, 0.0), axis=1, keepdims=True)
        topk = jnp.where(ki > 0, sum_gt + (k - cnt_gt) * vk, 0.0)

        cls_ref[...] = (jnp.sum(posce_ref[:, 0:1])
                        + jnp.sum(topk)).reshape(1, 1)
        sl1o_ref[...] = jnp.sum(sl1_ref[:, 0:1]).reshape(1, 1)
        npo_ref[...] = jnp.sum(npos).reshape(1, 1)


def _run_chunk(conf, ploc, gloc, labels):
    Bc, P, C = conf.shape
    conf_t = jnp.swapaxes(conf, 1, 2).astype(jnp.bfloat16)
    ploc_t = jnp.swapaxes(ploc, 1, 2)
    gloc_t = jnp.swapaxes(gloc, 1, 2)

    return pl.pallas_call(
        _mbloss_chunk,
        grid=(Bc,),
        in_specs=[
            pl.BlockSpec((1, C, P), lambda b: (b, 0, 0)),
            pl.BlockSpec((Bc, P), lambda b: (0, 0)),
            pl.BlockSpec((1, 4, P), lambda b: (b, 0, 0)),
            pl.BlockSpec((1, 4, P), lambda b: (b, 0, 0)),
        ],
        out_specs=[
            pl.BlockSpec((1, 1), lambda b: (0, 0)),
            pl.BlockSpec((1, 1), lambda b: (0, 0)),
            pl.BlockSpec((1, 1), lambda b: (0, 0)),
        ],
        out_shape=[
            jax.ShapeDtypeStruct((1, 1), jnp.float32),
            jax.ShapeDtypeStruct((1, 1), jnp.float32),
            jax.ShapeDtypeStruct((1, 1), jnp.float32),
        ],
        scratch_shapes=[
            pltpu.VMEM((Bc, P), jnp.float32),
            pltpu.VMEM((Bc, 128), jnp.float32),
            pltpu.VMEM((Bc, 128), jnp.float32),
            pltpu.VMEM((Bc, 128), jnp.float32),
        ],
    )(conf_t, labels, ploc_t, gloc_t)


@jax.jit
def kernel(confidence, predicted_locations, gt_labels, gt_locations):
    B, P, C = confidence.shape
    labels = gt_labels.astype(jnp.int32)
    n_chunks = 1
    Bc = B // n_chunks

    cls_tot = 0.0
    sl1_tot = 0.0
    np_tot = 0.0
    for i in range(n_chunks):
        lo = i * Bc
        c, s, n = _run_chunk(
            jax.lax.slice_in_dim(confidence, lo, lo + Bc, axis=0),
            jax.lax.slice_in_dim(predicted_locations, lo, lo + Bc, axis=0),
            jax.lax.slice_in_dim(gt_locations, lo, lo + Bc, axis=0),
            jax.lax.slice_in_dim(labels, lo, lo + Bc, axis=0),
        )
        cls_tot = cls_tot + c[0, 0]
        sl1_tot = sl1_tot + s[0, 0]
        np_tot = np_tot + n[0, 0]

    return (sl1_tot / np_tot, cls_tot / np_tot)

# --- scband reference (transcript-rebuilt; emitter-appended) ---
"""Pipeline reference for scband-multibox-loss-51539608075 (READ-ONLY COPY).

The authoritative reference and input builder live on the scoring server;
editing this copy changes nothing except your own understanding.
"""

import jax, jax.numpy as jnp
import numpy as np

NEG_POS_RATIO = 3

def setup_inputs(seed: int = 0) -> dict:
    key = jax.random.key(seed)
    k1, k2, k3, k4 = jax.random.split(key, 4)
    B, P, C = 32, 8732, 81
    confidence = jax.random.normal(k1, (B, P, C), dtype=jnp.float32)
    predicted_locations = jax.random.normal(k2, (B, P, 4), dtype=jnp.float32)
    gt_labels = jax.random.randint(k3, (B, P), 0, C, dtype=jnp.int64)
    gt_locations = jax.random.normal(k4, (B, P, 4), dtype=jnp.float32)
    return {
        "confidence": confidence,
        "predicted_locations": predicted_locations,
        "gt_labels": gt_labels,
        "gt_locations": gt_locations,
    }

def _hard_negative_mining(loss, labels, neg_pos_ratio):
    # loss: (B, P) background -log_softmax; labels: (B, P)
    pos_mask = labels > 0
    num_pos = jnp.sum(pos_mask, axis=1, keepdims=True)
    num_neg = num_pos * neg_pos_ratio
    loss = jnp.where(pos_mask, -jnp.inf, loss)
    indexes = jnp.argsort(-loss, axis=1)          # descending sort indices
    orders = jnp.argsort(indexes, axis=1)          # rank of each prior
    neg_mask = orders < num_neg
    return pos_mask | neg_mask

def reference(confidence, predicted_locations, gt_labels, gt_locations):
    num_classes = confidence.shape[2]
    # with torch.no_grad(): mining loss on background class
    mining_loss = -jax.nn.log_softmax(jax.lax.stop_gradient(confidence), axis=2)[:, :, 0]
    mask = _hard_negative_mining(mining_loss, gt_labels, NEG_POS_RATIO)
    # classification loss: cross entropy summed over selected priors
    logp = jax.nn.log_softmax(confidence, axis=2)
    ce = -jnp.take_along_axis(logp, gt_labels[..., None], axis=2)[..., 0]
    classification_loss = jnp.sum(jnp.where(mask, ce, 0.0))
    # smooth l1 over positive priors
    pos_mask = gt_labels > 0
    diff = predicted_locations - gt_locations
    abs_diff = jnp.abs(diff)
    sl1 = jnp.where(abs_diff < 1.0, 0.5 * diff * diff, abs_diff - 0.5)
    smooth_l1_loss = jnp.sum(jnp.where(pos_mask[..., None], sl1, 0.0))
    num_pos = jnp.sum(pos_mask).astype(jnp.float32)
    return (smooth_l1_loss / num_pos, classification_loss / num_pos)

if __name__ == "__main__":
    import jax
    _d = setup_inputs()
    print(jax.jit(kernel)(*tuple(_d.values())))

</pallas_src>

<mosaic_0001>
module attributes {stable_mosaic.version = 14 : i64} {
  func.func @_mbloss_chunk(%arg0: i32, %arg1: memref<1x81x8732xbf16, #tpu.memory_space<vmem>>, %arg2: memref<32x8732xi32, #tpu.memory_space<vmem>>, %arg3: memref<1x4x8732xf32, #tpu.memory_space<vmem>>, %arg4: memref<1x4x8732xf32, #tpu.memory_space<vmem>>, %arg5: memref<1x1xf32, #tpu.memory_space<vmem>>, %arg6: memref<1x1xf32, #tpu.memory_space<vmem>>, %arg7: memref<1x1xf32, #tpu.memory_space<vmem>>, %arg8: memref<32x8732xf32, #tpu.memory_space<vmem>>, %arg9: memref<32x128xf32, #tpu.memory_space<vmem>>, %arg10: memref<32x128xf32, #tpu.memory_space<vmem>>, %arg11: memref<32x128xf32, #tpu.memory_space<vmem>>) attributes {dimension_semantics = [#tpu.dimension_semantics<arbitrary>], iteration_bounds = array<i64: 32>, scalar_prefetch = 0 : i64, scratch_operands = 4 : i64, tpu.core_type = #tpu.core_type<tc>, window_params = [{transform_indices = @transform_0, window_bounds = array<i64: 1, 81, 8732>}, {pipeline_mode = #tpu.pipeline_mode<synchronous>, transform_indices = @transform_1, window_bounds = array<i64: 32, 8732>}, {transform_indices = @transform_2, window_bounds = array<i64: 1, 4, 8732>}, {transform_indices = @transform_3, window_bounds = array<i64: 1, 4, 8732>}, {pipeline_mode = #tpu.pipeline_mode<synchronous>, transform_indices = @transform_4, window_bounds = array<i64: 1, 1>}, {pipeline_mode = #tpu.pipeline_mode<synchronous>, transform_indices = @transform_5, window_bounds = array<i64: 1, 1>}, {pipeline_mode = #tpu.pipeline_mode<synchronous>, transform_indices = @transform_6, window_bounds = array<i64: 1, 1>}]} {
    %get3A = arith.constant 0 : index
    %get3A_0 = arith.constant 0 : index
    %get3A_1 = arith.constant 0 : index
    %get3A_2 = vector.load %arg1[%get3A, %get3A_0, %get3A_1] : memref<1x81x8732xbf16, #tpu.memory_space<vmem>>, vector<1x81x8732xbf16>
    %get3A_3 = vector.shape_cast %get3A_2 : vector<1x81x8732xbf16> to vector<81x8732xbf16>
    %convert_element_type3A = arith.extf %get3A_3 : vector<81x8732xbf16> to vector<81x8732xf32>
    %exp3A = math.exp %convert_element_type3A : vector<81x8732xf32>
    %reduce_sum3A = arith.constant dense<0.000000e+00> : vector<8732xf32>
    %reduce_sum3A_4 = vector.multi_reduction <add>, %exp3A, %reduce_sum3A [0] : vector<81x8732xf32> to vector<8732xf32>
    %broadcast_in_dim3A = vector.shape_cast %reduce_sum3A_4 : vector<8732xf32> to vector<1x8732xf32>
    %log3A = math.log %broadcast_in_dim3A : vector<1x8732xf32>
    %get3A_5 = arith.index_cast %arg0 : i32 to index
    %get3A_6 = arith.constant 0 : index
    %get3A_7 = vector.load %arg2[%get3A_5, %get3A_6] : memref<32x8732xi32, #tpu.memory_space<vmem>>, vector<1x8732xi32>
    %gt3A = arith.constant 0 : i32
    %gt3A_8 = vector.broadcast %gt3A : i32 to vector<1x8732xi32>
    %gt3A_9 = arith.cmpi sgt, %get3A_7, %gt3A_8 : vector<1x8732xi32>
    %iota3A = tpu.iota {dimensions = array<i32: 0>} : vector<81x8732xi32>
    %eq3A = vector.broadcast %get3A_7 : vector<1x8732xi32> to vector<81x8732xi32>
    %eq3A_10 = arith.cmpi eq, %iota3A, %eq3A : vector<81x8732xi32>
    %jit3A = arith.constant 0.000000e+00 : f32
    %broadcast_in_dim3A_11 = vector.broadcast %jit3A : f32 to vector<81x8732xf32>
    %select_n3A = arith.select %eq3A_10, %convert_element_type3A, %broadcast_in_dim3A_11 : vector<81x8732xi1>, vector<81x8732xf32>
    %reduce_sum3A_12 = arith.constant dense<0.000000e+00> : vector<8732xf32>
    %reduce_sum3A_13 = vector.multi_reduction <add>, %select_n3A, %reduce_sum3A_12 [0] : vector<81x8732xf32> to vector<8732xf32>
    %broadcast_in_dim3A_14 = vector.shape_cast %reduce_sum3A_13 : vector<8732xf32> to vector<1x8732xf32>
    %sub3A = arith.subf %log3A, %broadcast_in_dim3A_14 : vector<1x8732xf32>
    %jit3A_15 = arith.constant -1.000000e+00 : f32
    %broadcast_in_dim3A_16 = vector.broadcast %jit3A_15 : f32 to vector<1x8732xf32>
    %select_n3A_17 = arith.select %gt3A_9, %broadcast_in_dim3A_16, %sub3A : vector<1x8732xi1>, vector<1x8732xf32>
    %swap3A = arith.index_cast %arg0 : i32 to index
    %swap3A_18 = arith.constant 0 : index
    %swap3A_19 = vector.load %arg8[%swap3A, %swap3A_18] : memref<32x8732xf32, #tpu.memory_space<vmem>>, vector<1x8732xf32>
    tpu.vector_store %arg8[%swap3A, %swap3A_18], %select_n3A_17 {strides = array<i32>} : memref<32x8732xf32, #tpu.memory_space<vmem>>, vector<1x8732xf32>,
    %jit3A_20 = arith.constant 1.000000e+00 : f32
    %jit3A_21 = arith.constant 0.000000e+00 : f32
    %broadcast_in_dim3A_22 = vector.broadcast %jit3A_20 : f32 to vector<1x8732xf32>
    %broadcast_in_dim3A_23 = vector.broadcast %jit3A_21 : f32 to vector<1x8732xf32>
    %select_n3A_24 = arith.select %gt3A_9, %broadcast_in_dim3A_22, %broadcast_in_dim3A_23 : vector<1x8732xi1>, vector<1x8732xf32>
    %reduce_sum3A_25 = vector.shape_cast %select_n3A_24 : vector<1x8732xf32> to vector<1x1x8732xf32>
    %reduce_sum3A_26 = arith.constant dense<0.000000e+00> : vector<1xf32>
    %reduce_sum3A_27 = vector.multi_reduction <add>, %reduce_sum3A_25, %reduce_sum3A_26 [1, 2] : vector<1x1x8732xf32> to vector<1xf32>
    %reduce_sum3A_28 = vector.shape_cast %reduce_sum3A_27 : vector<1xf32> to vector<1x1x1xf32>
    %reduce_sum3A_29 = vector.extract %reduce_sum3A_28[0, 0, 0] : f32 from vector<1x1x1xf32>
    %jit3A_30 = arith.constant 0.000000e+00 : f32
    %broadcast_in_dim3A_31 = vector.broadcast %jit3A_30 : f32 to vector<1x8732xf32>
    %select_n3A_32 = arith.select %gt3A_9, %sub3A, %broadcast_in_dim3A_31 : vector<1x8732xi1>, vector<1x8732xf32>
    %reduce_sum3A_33 = vector.shape_cast %select_n3A_32 : vector<1x8732xf32> to vector<1x1x8732xf32>
    %reduce_sum3A_34 = arith.constant dense<0.000000e+00> : vector<1xf32>
    %reduce_sum3A_35 = vector.multi_reduction <add>, %reduce_sum3A_33, %reduce_sum3A_34 [1, 2] : vector<1x1x8732xf32> to vector<1xf32>
    %reduce_sum3A_36 = vector.shape_cast %reduce_sum3A_35 : vector<1xf32> to vector<1x1x1xf32>
    %reduce_sum3A_37 = vector.extract %reduce_sum3A_36[0, 0, 0] : f32 from vector<1x1x1xf32>
    %get3A_38 = arith.constant 0 : index
    %get3A_39 = arith.constant 0 : index
    %get3A_40 = arith.constant 0 : index
    %get3A_41 = vector.load %arg3[%get3A_38, %get3A_39, %get3A_40] : memref<1x4x8732xf32, #tpu.memory_space<vmem>>, vector<1x4x8732xf32>
    %get3A_42 = vector.shape_cast %get3A_41 : vector<1x4x8732xf32> to vector<4x8732xf32>
    %get3A_43 = arith.constant 0 : index
    %get3A_44 = arith.constant 0 : index
    %get3A_45 = arith.constant 0 : index
    %get3A_46 = vector.load %arg4[%get3A_43, %get3A_44, %get3A_45] : memref<1x4x8732xf32, #tpu.memory_space<vmem>>, vector<1x4x8732xf32>
    %get3A_47 = vector.shape_cast %get3A_46 : vector<1x4x8732xf32> to vector<4x8732xf32>
    %sub3A_48 = arith.subf %get3A_42, %get3A_47 : vector<4x8732xf32>
    %abs3A = math.absf %sub3A_48 : vector<4x8732xf32>
    %lt3A = arith.constant 1.000000e+00 : f32
    %lt3A_49 = vector.broadcast %lt3A : f32 to vector<4x8732xf32>
    %lt3A_50 = arith.cmpf olt, %abs3A, %lt3A_49 : vector<4x8732xf32>
    %mul3A = arith.constant 5.000000e-01 : f32
    %mul3A_51 = vector.broadcast %mul3A : f32 to vector<4x8732xf32>
    %mul3A_52 = arith.mulf %mul3A_51, %sub3A_48 : vector<4x8732xf32>
    %mul3A_53 = arith.mulf %mul3A_52, %sub3A_48 : vector<4x8732xf32>
    %sub3A_54 = arith.constant 5.000000e-01 : f32
    %sub3A_55 = vector.broadcast %sub3A_54 : f32 to vector<4x8732xf32>
    %sub3A_56 = arith.subf %abs3A, %sub3A_55 : vector<4x8732xf32>
    %select_n3A_57 = arith.select %lt3A_50, %mul3A_53, %sub3A_56 : vector<4x8732xi1>, vector<4x8732xf32>
    %jit3A_58 = arith.constant 0.000000e+00 : f32
    %broadcast_in_dim3A_59 = vector.shape_cast %gt3A_9 : vector<1x8732xi1> to vector<1x8732xi1>
    %broadcast_in_dim3A_60 = vector.broadcast %broadcast_in_dim3A_59 : vector<1x8732xi1> to vector<4x8732xi1>
    %broadcast_in_dim3A_61 = vector.broadcast %jit3A_58 : f32 to vector<4x8732xf32>
    %select_n3A_62 = arith.select %broadcast_in_dim3A_60, %select_n3A_57, %broadcast_in_dim3A_61 : vector<4x8732xi1>, vector<4x8732xf32>
    %reduce_sum3A_63 = vector.shape_cast %select_n3A_62 : vector<4x8732xf32> to vector<1x4x8732xf32>
    %reduce_sum3A_64 = arith.constant dense<0.000000e+00> : vector<1xf32>
    %reduce_sum3A_65 = vector.multi_reduction <add>, %reduce_sum3A_63, %reduce_sum3A_64 [1, 2] : vector<1x4x8732xf32> to vector<1xf32>
    %reduce_sum3A_66 = vector.shape_cast %reduce_sum3A_65 : vector<1xf32> to vector<1x1x1xf32>
    %reduce_sum3A_67 = vector.extract %reduce_sum3A_66[0, 0, 0] : f32 from vector<1x1x1xf32>
    %broadcast_in_dim3A_68 = vector.broadcast %reduce_sum3A_29 : f32 to vector<1x128xf32>
    %swap3A_69 = arith.index_cast %arg0 : i32 to index
    %swap3A_70 = arith.constant 0 : index
    %swap3A_71 = vector.load %arg9[%swap3A_69, %swap3A_70] : memref<32x128xf32, #tpu.memory_space<vmem>>, vector<1x128xf32>
    tpu.vector_store %arg9[%swap3A_69, %swap3A_70], %broadcast_in_dim3A_68 {strides = array<i32>} : memref<32x128xf32, #tpu.memory_space<vmem>>, vector<1x128xf32>,
    %broadcast_in_dim3A_72 = vector.broadcast %reduce_sum3A_37 : f32 to vector<1x128xf32>
    %swap3A_73 = arith.index_cast %arg0 : i32 to index
    %swap3A_74 = arith.constant 0 : index
    %swap3A_75 = vector.load %arg10[%swap3A_73, %swap3A_74] : memref<32x128xf32, #tpu.memory_space<vmem>>, vector<1x128xf32>
    tpu.vector_store %arg10[%swap3A_73, %swap3A_74], %broadcast_in_dim3A_72 {strides = array<i32>} : memref<32x128xf32, #tpu.memory_space<vmem>>, vector<1x128xf32>,
    %broadcast_in_dim3A_76 = vector.broadcast %reduce_sum3A_67 : f32 to vector<1x128xf32>
    %swap3A_77 = arith.index_cast %arg0 : i32 to index
    %swap3A_78 = arith.constant 0 : index
    %swap3A_79 = vector.load %arg11[%swap3A_77, %swap3A_78] : memref<32x128xf32, #tpu.memory_space<vmem>>, vector<1x128xf32>
    tpu.vector_store %arg11[%swap3A_77, %swap3A_78], %broadcast_in_dim3A_76 {strides = array<i32>} : memref<32x128xf32, #tpu.memory_space<vmem>>, vector<1x128xf32>,
    %eq3A_80 = arith.constant 31 : i32
    %eq3A_81 = arith.cmpi eq, %arg0, %eq3A_80 : i32
    %convert_element_type3A_82 = arith.extui %eq3A_81 : i1 to i32
    %cond3A = arith.constant 0 : i32
    %cond3A_83 = arith.cmpi ne, %convert_element_type3A_82, %cond3A : i32
    scf.if %cond3A_83 {
      %get3A_84 = arith.constant 0 : index
      %get3A_85 = arith.constant 0 : index
      %get3A_86 = vector.load %arg8[%get3A_84, %get3A_85] : memref<32x8732xf32, #tpu.memory_space<vmem>>, vector<32x8732xf32>
      %get3A_87 = arith.constant 0 : index
      %get3A_88 = arith.constant 0 : index
      %get3A_89 = vector.load %arg9[%get3A_87, %get3A_88] : memref<32x128xf32, #tpu.memory_space<vmem>>, vector<32x1xf32>
      %mul3A_90 = arith.constant 3.000000e+00 : f32
      %mul3A_91 = vector.broadcast %mul3A_90 : f32 to vector<32x1xf32>
      %mul3A_92 = arith.mulf %mul3A_91, %get3A_89 : vector<32x1xf32>
      %sub3A_93 = arith.constant 8.732000e+03 : f32
      %sub3A_94 = vector.broadcast %sub3A_93 : f32 to vector<32x1xf32>
      %sub3A_95 = arith.subf %sub3A_94, %get3A_89 : vector<32x1xf32>
      %min3A = arith.minimumf %mul3A_92, %sub3A_95 : vector<32x1xf32>
      %convert_element_type3A_96 = arith.fptosi %min3A : vector<32x1xf32> to vector<32x1xi32>
      %bitcast_convert_type3A = tpu.bitcast %get3A_86 : vector<32x8732xf32> -> vector<32x8732xi32>
      %broadcast_in_dim3A_97 = arith.constant 0 : i32
      %broadcast_in_dim3A_98 = vector.broadcast %broadcast_in_dim3A_97 : i32 to vector<32x1xi32>
      %or3A = arith.constant 1073741824 : i32
      %or3A_99 = vector.broadcast %or3A : i32 to vector<32x1xi32>
      %or3A_100 = arith.ori %broadcast_in_dim3A_98, %or3A_99 : vector<32x1xi32>
      %ge3A = vector.broadcast %or3A_100 : vector<32x1xi32> to vector<32x8732xi32>
      %ge3A_101 = arith.cmpi sge, %bitcast_convert_type3A, %ge3A : vector<32x8732xi32>
      %convert_element_type3A_102 = arith.extui %ge3A_101 : vector<32x8732xi1> to vector<32x8732xi32>
      %reduce_sum3A_103 = arith.constant dense<0> : vector<32xi32>
      %reduce_sum3A_104 = vector.multi_reduction <add>, %convert_element_type3A_102, %reduce_sum3A_103 [1] : vector<32x8732xi32> to vector<32xi32>
      %broadcast_in_dim3A_105 = vector.shape_cast %reduce_sum3A_104 : vector<32xi32> to vector<32x1xi32>
      %ge3A_106 = arith.cmpi sge, %broadcast_in_dim3A_105, %convert_element_type3A_96 : vector<32x1xi32>
      %select_n3A_107 = arith.select %ge3A_106, %or3A_100, %broadcast_in_dim3A_98 : vector<32x1xi1>, vector<32x1xi32>
      %or3A_108 = arith.constant 536870912 : i32
      %or3A_109 = vector.broadcast %or3A_108 : i32 to vector<32x1xi32>
      %or3A_110 = arith.ori %select_n3A_107, %or3A_109 : vector<32x1xi32>
      %ge3A_111 = vector.broadcast %or3A_110 : vector<32x1xi32> to vector<32x8732xi32>
      %ge3A_112 = arith.cmpi sge, %bitcast_convert_type3A, %ge3A_111 : vector<32x8732xi32>
      %convert_element_type3A_113 = arith.extui %ge3A_112 : vector<32x8732xi1> to vector<32x8732xi32>
      %reduce_sum3A_114 = arith.constant dense<0> : vector<32xi32>
      %reduce_sum3A_115 = vector.multi_reduction <add>, %convert_element_type3A_113, %reduce_sum3A_114 [1] : vector<32x8732xi32> to vector<32xi32>
      %broadcast_in_dim3A_116 = vector.shape_cast %reduce_sum3A_115 : vector<32xi32> to vector<32x1xi32>
      %ge3A_117 = arith.cmpi sge, %broadcast_in_dim3A_116, %convert_element_type3A_96 : vector<32x1xi32>
      %select_n3A_118 = arith.select %ge3A_117, %or3A_110, %select_n3A_107 : vector<32x1xi1>, vector<32x1xi32>
      %or3A_119 = arith.constant 268435456 : i32
      %or3A_120 = vector.broadcast %or3A_119 : i32 to vector<32x1xi32>
      %or3A_121 = arith.ori %select_n3A_118, %or3A_120 : vector<32x1xi32>
      %ge3A_122 = vector.broadcast %or3A_121 : vector<32x1xi32> to vector<32x8732xi32>
      %ge3A_123 = arith.cmpi sge, %bitcast_convert_type3A, %ge3A_122 : vector<32x8732xi32>
      %convert_element_type3A_124 = arith.extui %ge3A_123 : vector<32x8732xi1> to vector<32x8732xi32>
      %reduce_sum3A_125 = arith.constant dense<0> : vector<32xi32>
      %reduce_sum3A_126 = vector.multi_reduction <add>, %convert_element_type3A_124, %reduce_sum3A_125 [1] : vector<32x8732xi32> to vector<32xi32>
      %broadcast_in_dim3A_127 = vector.shape_cast %reduce_sum3A_126 : vector<32xi32> to vector<32x1xi32>
      %ge3A_128 = arith.cmpi sge, %broadcast_in_dim3A_127, %convert_element_type3A_96 : vector<32x1xi32>
      %select_n3A_129 = arith.select %ge3A_128, %or3A_121, %select_n3A_118 : vector<32x1xi1>, vector<32x1xi32>
      %or3A_130 = arith.constant 134217728 : i32
      %or3A_131 = vector.broadcast %or3A_130 : i32 to vector<32x1xi32>
      %or3A_132 = arith.ori %select_n3A_129, %or3A_131 : vector<32x1xi32>
      %ge3A_133 = vector.broadcast %or3A_132 : vector<32x1xi32> to vector<32x8732xi32>
      %ge3A_134 = arith.cmpi sge, %bitcast_convert_type3A, %ge3A_133 : vector<32x8732xi32>
      %convert_element_type3A_135 = arith.extui %ge3A_134 : vector<32x8732xi1> to vector<32x8732xi32>
      %reduce_sum3A_136 = arith.constant dense<0> : vector<32xi32>
      %reduce_sum3A_137 = vector.multi_reduction <add>, %convert_element_type3A_135, %reduce_sum3A_136 [1] : vector<32x8732xi32> to vector<32xi32>
      %broadcast_in_dim3A_138 = vector.shape_cast %reduce_sum3A_137 : vector<32xi32> to vector<32x1xi32>
      %ge3A_139 = arith.cmpi sge, %broadcast_in_dim3A_138, %convert_element_type3A_96 : vector<32x1xi32>
      %select_n3A_140 = arith.select %ge3A_139, %or3A_132, %select_n3A_129 : vector<32x1xi1>, vector<32x1xi32>
      %or3A_141 = arith.constant 67108864 : i32
      %or3A_142 = vector.broadcast %or3A_141 : i32 to vector<32x1xi32>
      %or3A_143 = arith.ori %select_n3A_140, %or3A_142 : vector<32x1xi32>
      %ge3A_144 = vector.broadcast %or3A_143 : vector<32x1xi32> to vector<32x8732xi32>
      %ge3A_145 = arith.cmpi sge, %bitcast_convert_type3A, %ge3A_144 : vector<32x8732xi32>
      %convert_element_type3A_146 = arith.extui %ge3A_145 : vector<32x8732xi1> to vector<32x8732xi32>
      %reduce_sum3A_147 = arith.constant dense<0> : vector<32xi32>
      %reduce_sum3A_148 = vector.multi_reduction <add>, %convert_element_type3A_146, %reduce_sum3A_147 [1] : vector<32x8732xi32> to vector<32xi32>
      %broadcast_in_dim3A_149 = vector.shape_cast %reduce_sum3A_148 : vector<32xi32> to vector<32x1xi32>
      %ge3A_150 = arith.cmpi sge, %broadcast_in_dim3A_149, %convert_element_type3A_96 : vector<32x1xi32>
      %select_n3A_151 = arith.select %ge3A_150, %or3A_143, %select_n3A_140 : vector<32x1xi1>, vector<32x1xi32>
      %or3A_152 = arith.constant 33554432 : i32
      %or3A_153 = vector.broadcast %or3A_152 : i32 to vector<32x1xi32>
      %or3A_154 = arith.ori %select_n3A_151, %or3A_153 : vector<32x1xi32>
      %ge3A_155 = vector.broadcast %or3A_154 : vector<32x1xi32> to vector<32x8732xi32>
      %ge3A_156 = arith.cmpi sge, %bitcast_convert_type3A, %ge3A_155 : vector<32x8732xi32>
      %convert_element_type3A_157 = arith.extui %ge3A_156 : vector<32x8732xi1> to vector<32x8732xi32>
      %reduce_sum3A_158 = arith.constant dense<0> : vector<32xi32>
      %reduce_sum3A_159 = vector.multi_reduction <add>, %convert_element_type3A_157, %reduce_sum3A_158 [1] : vector<32x8732xi32> to vector<32xi32>
      %broadcast_in_dim3A_160 = vector.shape_cast %reduce_sum3A_159 : vector<32xi32> to vector<32x1xi32>
      %ge3A_161 = arith.cmpi sge, %broadcast_in_dim3A_160, %convert_element_type3A_96 : vector<32x1xi32>
      %select_n3A_162 = arith.select %ge3A_161, %or3A_154, %select_n3A_151 : vector<32x1xi1>, vector<32x1xi32>
      %or3A_163 = arith.constant 16777216 : i32
      %or3A_164 = vector.broadcast %or3A_163 : i32 to vector<32x1xi32>
      %or3A_165 = arith.ori %select_n3A_162, %or3A_164 : vector<32x1xi32>
      %ge3A_166 = vector.broadcast %or3A_165 : vector<32x1xi32> to vector<32x8732xi32>
      %ge3A_167 = arith.cmpi sge, %bitcast_convert_type3A, %ge3A_166 : vector<32x8732xi32>
      %convert_element_type3A_168 = arith.extui %ge3A_167 : vector<32x8732xi1> to vector<32x8732xi32>
      %reduce_sum3A_169 = arith.constant dense<0> : vector<32xi32>
      %reduce_sum3A_170 = vector.multi_reduction <add>, %convert_element_type3A_168, %reduce_sum3A_169 [1] : vector<32x8732xi32> to vector<32xi32>
      %broadcast_in_dim3A_171 = vector.shape_cast %reduce_sum3A_170 : vector<32xi32> to vector<32x1xi32>
      %ge3A_172 = arith.cmpi sge, %broadcast_in_dim3A_171, %convert_element_type3A_96 : vector<32x1xi32>
      %select_n3A_173 = arith.select %ge3A_172, %or3A_165, %select_n3A_162 : vector<32x1xi1>, vector<32x1xi32>
      %or3A_174 = arith.constant 8388608 : i32
      %or3A_175 = vector.broadcast %or3A_174 : i32 to vector<32x1xi32>
      %or3A_176 = arith.ori %select_n3A_173, %or3A_175 : vector<32x1xi32>
      %ge3A_177 = vector.broadcast %or3A_176 : vector<32x1xi32> to vector<32x8732xi32>
      %ge3A_178 = arith.cmpi sge, %bitcast_convert_type3A, %ge3A_177 : vector<32x8732xi32>
      %convert_element_type3A_179 = arith.extui %ge3A_178 : vector<32x8732xi1> to vector<32x8732xi32>
      %reduce_sum3A_180 = arith.constant dense<0> : vector<32xi32>
      %reduce_sum3A_181 = vector.multi_reduction <add>, %convert_element_type3A_179, %reduce_sum3A_180 [1] : vector<32x8732xi32> to vector<32xi32>
      %broadcast_in_dim3A_182 = vector.shape_cast %reduce_sum3A_181 : vector<32xi32> to vector<32x1xi32>
      %ge3A_183 = arith.cmpi sge, %broadcast_in_dim3A_182, %convert_element_type3A_96 : vector<32x1xi32>
      %select_n3A_184 = arith.select %ge3A_183, %or3A_176, %select_n3A_173 : vector<32x1xi1>, vector<32x1xi32>
      %or3A_185 = arith.constant 4194304 : i32
      %or3A_186 = vector.broadcast %or3A_185 : i32 to vector<32x1xi32>
      %or3A_187 = arith.ori %select_n3A_184, %or3A_186 : vector<32x1xi32>
      %ge3A_188 = vector.broadcast %or3A_187 : vector<32x1xi32> to vector<32x8732xi32>
      %ge3A_189 = arith.cmpi sge, %bitcast_convert_type3A, %ge3A_188 : vector<32x8732xi32>
      %convert_element_type3A_190 = arith.extui %ge3A_189 : vector<32x8732xi1> to vector<32x8732xi32>
      %reduce_sum3A_191 = arith.constant dense<0> : vector<32xi32>
      %reduce_sum3A_192 = vector.multi_reduction <add>, %convert_element_type3A_190, %reduce_sum3A_191 [1] : vector<32x8732xi32> to vector<32xi32>
      %broadcast_in_dim3A_193 = vector.shape_cast %reduce_sum3A_192 : vector<32xi32> to vector<32x1xi32>
      %ge3A_194 = arith.cmpi sge, %broadcast_in_dim3A_193, %convert_element_type3A_96 : vector<32x1xi32>
      %select_n3A_195 = arith.select %ge3A_194, %or3A_187, %select_n3A_184 : vector<32x1xi1>, vector<32x1xi32>
      %or3A_196 = arith.constant 2097152 : i32
      %or3A_197 = vector.broadcast %or3A_196 : i32 to vector<32x1xi32>
      %or3A_198 = arith.ori %select_n3A_195, %or3A_197 : vector<32x1xi32>
      %ge3A_199 = vector.broadcast %or3A_198 : vector<32x1xi32> to vector<32x8732xi32>
      %ge3A_200 = arith.cmpi sge, %bitcast_convert_type3A, %ge3A_199 : vector<32x8732xi32>
      %convert_element_type3A_201 = arith.extui %ge3A_200 : vector<32x8732xi1> to vector<32x8732xi32>
      %reduce_sum3A_202 = arith.constant dense<0> : vector<32xi32>
      %reduce_sum3A_203 = vector.multi_reduction <add>, %convert_element_type3A_201, %reduce_sum3A_202 [1] : vector<32x8732xi32> to vector<32xi32>
      %broadcast_in_dim3A_204 = vector.shape_cast %reduce_sum3A_203 : vector<32xi32> to vector<32x1xi32>
      %ge3A_205 = arith.cmpi sge, %broadcast_in_dim3A_204, %convert_element_type3A_96 : vector<32x1xi32>
      %select_n3A_206 = arith.select %ge3A_205, %or3A_198, %select_n3A_195 : vector<32x1xi1>, vector<32x1xi32>
      %or3A_207 = arith.constant 1048576 : i32
      %or3A_208 = vector.broadcast %or3A_207 : i32 to vector<32x1xi32>
      %or3A_209 = arith.ori %select_n3A_206, %or3A_208 : vector<32x1xi32>
      %ge3A_210 = vector.broadcast %or3A_209 : vector<32x1xi32> to vector<32x8732xi32>
      %ge3A_211 = arith.cmpi sge, %bitcast_convert_type3A, %ge3A_210 : vector<32x8732xi32>
      %convert_element_type3A_212 = arith.extui %ge3A_211 : vector<32x8732xi1> to vector<32x8732xi32>
      %reduce_sum3A_213 = arith.constant dense<0> : vector<32xi32>
      %reduce_sum3A_214 = vector.multi_reduction <add>, %convert_element_type3A_212, %reduce_sum3A_213 [1] : vector<32x8732xi32> to vector<32xi32>
      %broadcast_in_dim3A_215 = vector.shape_cast %reduce_sum3A_214 : vector<32xi32> to vector<32x1xi32>
      %ge3A_216 = arith.cmpi sge, %broadcast_in_dim3A_215, %convert_element_type3A_96 : vector<32x1xi32>
      %select_n3A_217 = arith.select %ge3A_216, %or3A_209, %select_n3A_206 : vector<32x1xi1>, vector<32x1xi32>
      %or3A_218 = arith.constant 524288 : i32
      %or3A_219 = vector.broadcast %or3A_218 : i32 to vector<32x1xi32>
      %or3A_220 = arith.ori %select_n3A_217, %or3A_219 : vector<32x1xi32>
      %ge3A_221 = vector.broadcast %or3A_220 : vector<32x1xi32> to vector<32x8732xi32>
      %ge3A_222 = arith.cmpi sge, %bitcast_convert_type3A, %ge3A_221 : vector<32x8732xi32>
      %convert_element_type3A_223 = arith.extui %ge3A_222 : vector<32x8732xi1> to vector<32x8732xi32>
      %reduce_sum3A_224 = arith.constant dense<0> : vector<32xi32>
      %reduce_sum3A_225 = vector.multi_reduction <add>, %convert_element_type3A_223, %reduce_sum3A_224 [1] : vector<32x8732xi32> to vector<32xi32>
      %broadcast_in_dim3A_226 = vector.shape_cast %reduce_sum3A_225 : vector<32xi32> to vector<32x1xi32>
      %ge3A_227 = arith.cmpi sge, %broadcast_in_dim3A_226, %convert_element_type3A_96 : vector<32x1xi32>
      %select_n3A_228 = arith.select %ge3A_227, %or3A_220, %select_n3A_217 : vector<32x1xi1>, vector<32x1xi32>
      %or3A_229 = arith.constant 262144 : i32
      %or3A_230 = vector.broadcast %or3A_229 : i32 to vector<32x1xi32>
      %or3A_231 = arith.ori %select_n3A_228, %or3A_230 : vector<32x1xi32>
      %ge3A_232 = vector.broadcast %or3A_231 : vector<32x1xi32> to vector<32x8732xi32>
      %ge3A_233 = arith.cmpi sge, %bitcast_convert_type3A, %ge3A_232 : vector<32x8732xi32>
      %convert_element_type3A_234 = arith.extui %ge3A_233 : vector<32x8732xi1> to vector<32x8732xi32>
      %reduce_sum3A_235 = arith.constant dense<0> : vector<32xi32>
      %reduce_sum3A_236 = vector.multi_reduction <add>, %convert_element_type3A_234, %reduce_sum3A_235 [1] : vector<32x8732xi32> to vector<32xi32>
      %broadcast_in_dim3A_237 = vector.shape_cast %reduce_sum3A_236 : vector<32xi32> to vector<32x1xi32>
      %ge3A_238 = arith.cmpi sge, %broadcast_in_dim3A_237, %convert_element_type3A_96 : vector<32x1xi32>
      %select_n3A_239 = arith.select %ge3A_238, %or3A_231, %select_n3A_228 : vector<32x1xi1>, vector<32x1xi32>
      %or3A_240 = arith.constant 131072 : i32
      %or3A_241 = vector.broadcast %or3A_240 : i32 to vector<32x1xi32>
      %or3A_242 = arith.ori %select_n3A_239, %or3A_241 : vector<32x1xi32>
      %ge3A_243 = vector.broadcast %or3A_242 : vector<32x1xi32> to vector<32x8732xi32>
      %ge3A_244 = arith.cmpi sge, %bitcast_convert_type3A, %ge3A_243 : vector<32x8732xi32>
      %convert_element_type3A_245 = arith.extui %ge3A_244 : vector<32x8732xi1> to vector<32x8732xi32>
      %reduce_sum3A_246 = arith.constant dense<0> : vector<32xi32>
      %reduce_sum3A_247 = vector.multi_reduction <add>, %convert_element_type3A_245, %reduce_sum3A_246 [1] : vector<32x8732xi32> to vector<32xi32>
      %broadcast_in_dim3A_248 = vector.shape_cast %reduce_sum3A_247 : vector<32xi32> to vector<32x1xi32>
      %ge3A_249 = arith.cmpi sge, %broadcast_in_dim3A_248, %convert_element_type3A_96 : vector<32x1xi32>
      %select_n3A_250 = arith.select %ge3A_249, %or3A_242, %select_n3A_239 : vector<32x1xi1>, vector<32x1xi32>
      %or3A_251 = arith.constant 65536 : i32
      %or3A_252 = vector.broadcast %or3A_251 : i32 to vector<32x1xi32>
      %or3A_253 = arith.ori %select_n3A_250, %or3A_252 : vector<32x1xi32>
      %ge3A_254 = vector.broadcast %or3A_253 : vector<32x1xi32> to vector<32x8732xi32>
      %ge3A_255 = arith.cmpi sge, %bitcast_convert_type3A, %ge3A_254 : vector<32x8732xi32>
      %convert_element_type3A_256 = arith.extui %ge3A_255 : vector<32x8732xi1> to vector<32x8732xi32>
      %reduce_sum3A_257 = arith.constant dense<0> : vector<32xi32>
      %reduce_sum3A_258 = vector.multi_reduction <add>, %convert_element_type3A_256, %reduce_sum3A_257 [1] : vector<32x8732xi32> to vector<32xi32>
      %broadcast_in_dim3A_259 = vector.shape_cast %reduce_sum3A_258 : vector<32xi32> to vector<32x1xi32>
      %ge3A_260 = arith.cmpi sge, %broadcast_in_dim3A_259, %convert_element_type3A_96 : vector<32x1xi32>
      %select_n3A_261 = arith.select %ge3A_260, %or3A_253, %select_n3A_250 : vector<32x1xi1>, vector<32x1xi32>
      %or3A_262 = arith.constant 32768 : i32
      %or3A_263 = vector.broadcast %or3A_262 : i32 to vector<32x1xi32>
      %or3A_264 = arith.ori %select_n3A_261, %or3A_263 : vector<32x1xi32>
      %ge3A_265 = vector.broadcast %or3A_264 : vector<32x1xi32> to vector<32x8732xi32>
      %ge3A_266 = arith.cmpi sge, %bitcast_convert_type3A, %ge3A_265 : vector<32x8732xi32>
      %convert_element_type3A_267 = arith.extui %ge3A_266 : vector<32x8732xi1> to vector<32x8732xi32>
      %reduce_sum3A_268 = arith.constant dense<0> : vector<32xi32>
      %reduce_sum3A_269 = vector.multi_reduction <add>, %convert_element_type3A_267, %reduce_sum3A_268 [1] : vector<32x8732xi32> to vector<32xi32>
      %broadcast_in_dim3A_270 = vector.shape_cast %reduce_sum3A_269 : vector<32xi32> to vector<32x1xi32>
      %ge3A_271 = arith.cmpi sge, %broadcast_in_dim3A_270, %convert_element_type3A_96 : vector<32x1xi32>
      %select_n3A_272 = arith.select %ge3A_271, %or3A_264, %select_n3A_261 : vector<32x1xi1>, vector<32x1xi32>
      %or3A_273 = arith.constant 16384 : i32
      %or3A_274 = vector.broadcast %or3A_273 : i32 to vector<32x1xi32>
      %or3A_275 = arith.ori %select_n3A_272, %or3A_274 : vector<32x1xi32>
      %ge3A_276 = vector.broadcast %or3A_275 : vector<32x1xi32> to vector<32x8732xi32>
      %ge3A_277 = arith.cmpi sge, %bitcast_convert_type3A, %ge3A_276 : vector<32x8732xi32>
      %convert_element_type3A_278 = arith.extui %ge3A_277 : vector<32x8732xi1> to vector<32x8732xi32>
      %reduce_sum3A_279 = arith.constant dense<0> : vector<32xi32>
      %reduce_sum3A_280 = vector.multi_reduction <add>, %convert_element_type3A_278, %reduce_sum3A_279 [1] : vector<32x8732xi32> to vector<32xi32>
      %broadcast_in_dim3A_281 = vector.shape_cast %reduce_sum3A_280 : vector<32xi32> to vector<32x1xi32>
      %ge3A_282 = arith.cmpi sge, %broadcast_in_dim3A_281, %convert_element_type3A_96 : vector<32x1xi32>
      %select_n3A_283 = arith.select %ge3A_282, %or3A_275, %select_n3A_272 : vector<32x1xi1>, vector<32x1xi32>
      %or3A_284 = arith.constant 8192 : i32
      %or3A_285 = vector.broadcast %or3A_284 : i32 to vector<32x1xi32>
      %or3A_286 = arith.ori %select_n3A_283, %or3A_285 : vector<32x1xi32>
      %ge3A_287 = vector.broadcast %or3A_286 : vector<32x1xi32> to vector<32x8732xi32>
      %ge3A_288 = arith.cmpi sge, %bitcast_convert_type3A, %ge3A_287 : vector<32x8732xi32>
      %convert_element_type3A_289 = arith.extui %ge3A_288 : vector<32x8732xi1> to vector<32x8732xi32>
      %reduce_sum3A_290 = arith.constant dense<0> : vector<32xi32>
      %reduce_sum3A_291 = vector.multi_reduction <add>, %convert_element_type3A_289, %reduce_sum3A_290 [1] : vector<32x8732xi32> to vector<32xi32>
      %broadcast_in_dim3A_292 = vector.shape_cast %reduce_sum3A_291 : vector<32xi32> to vector<32x1xi32>
      %ge3A_293 = arith.cmpi sge, %broadcast_in_dim3A_292, %convert_element_type3A_96 : vector<32x1xi32>
      %select_n3A_294 = arith.select %ge3A_293, %or3A_286, %select_n3A_283 : vector<32x1xi1>, vector<32x1xi32>
      %or3A_295 = arith.constant 4096 : i32
      %or3A_296 = vector.broadcast %or3A_295 : i32 to vector<32x1xi32>
      %or3A_297 = arith.ori %select_n3A_294, %or3A_296 : vector<32x1xi32>
      %ge3A_298 = vector.broadcast %or3A_297 : vector<32x1xi32> to vector<32x8732xi32>
      %ge3A_299 = arith.cmpi sge, %bitcast_convert_type3A, %ge3A_298 : vector<32x8732xi32>
      %convert_element_type3A_300 = arith.extui %ge3A_299 : vector<32x8732xi1> to vector<32x8732xi32>
      %reduce_sum3A_301 = arith.constant dense<0> : vector<32xi32>
      %reduce_sum3A_302 = vector.multi_reduction <add>, %convert_element_type3A_300, %reduce_sum3A_301 [1] : vector<32x8732xi32> to vector<32xi32>
      %broadcast_in_dim3A_303 = vector.shape_cast %reduce_sum3A_302 : vector<32xi32> to vector<32x1xi32>
      %ge3A_304 = arith.cmpi sge, %broadcast_in_dim3A_303, %convert_element_type3A_96 : vector<32x1xi32>
      %select_n3A_305 = arith.select %ge3A_304, %or3A_297, %select_n3A_294 : vector<32x1xi1>, vector<32x1xi32>
      %or3A_306 = arith.constant 2048 : i32
      %or3A_307 = vector.broadcast %or3A_306 : i32 to vector<32x1xi32>
      %or3A_308 = arith.ori %select_n3A_305, %or3A_307 : vector<32x1xi32>
      %ge3A_309 = vector.broadcast %or3A_308 : vector<32x1xi32> to vector<32x8732xi32>
      %ge3A_310 = arith.cmpi sge, %bitcast_convert_type3A, %ge3A_309 : vector<32x8732xi32>
      %convert_element_type3A_311 = arith.extui %ge3A_310 : vector<32x8732xi1> to vector<32x8732xi32>
      %reduce_sum3A_312 = arith.constant dense<0> : vector<32xi32>
      %reduce_sum3A_313 = vector.multi_reduction <add>, %convert_element_type3A_311, %reduce_sum3A_312 [1] : vector<32x8732xi32> to vector<32xi32>
      %broadcast_in_dim3A_314 = vector.shape_cast %reduce_sum3A_313 : vector<32xi32> to vector<32x1xi32>
      %ge3A_315 = arith.cmpi sge, %broadcast_in_dim3A_314, %convert_element_type3A_96 : vector<32x1xi32>
      %select_n3A_316 = arith.select %ge3A_315, %or3A_308, %select_n3A_305 : vector<32x1xi1>, vector<32x1xi32>
      %or3A_317 = arith.constant 1024 : i32
      %or3A_318 = vector.broadcast %or3A_317 : i32 to vector<32x1xi32>
      %or3A_319 = arith.ori %select_n3A_316, %or3A_318 : vector<32x1xi32>
      %ge3A_320 = vector.broadcast %or3A_319 : vector<32x1xi32> to vector<32x8732xi32>
      %ge3A_321 = arith.cmpi sge, %bitcast_convert_type3A, %ge3A_320 : vector<32x8732xi32>
      %convert_element_type3A_322 = arith.extui %ge3A_321 : vector<32x8732xi1> to vector<32x8732xi32>
      %reduce_sum3A_323 = arith.constant dense<0> : vector<32xi32>
      %reduce_sum3A_324 = vector.multi_reduction <add>, %convert_element_type3A_322, %reduce_sum3A_323 [1] : vector<32x8732xi32> to vector<32xi32>
      %broadcast_in_dim3A_325 = vector.shape_cast %reduce_sum3A_324 : vector<32xi32> to vector<32x1xi32>
      %ge3A_326 = arith.cmpi sge, %broadcast_in_dim3A_325, %convert_element_type3A_96 : vector<32x1xi32>
      %select_n3A_327 = arith.select %ge3A_326, %or3A_319, %select_n3A_316 : vector<32x1xi1>, vector<32x1xi32>
      %or3A_328 = arith.constant 512 : i32
      %or3A_329 = vector.broadcast %or3A_328 : i32 to vector<32x1xi32>
      %or3A_330 = arith.ori %select_n3A_327, %or3A_329 : vector<32x1xi32>
      %ge3A_331 = vector.broadcast %or3A_330 : vector<32x1xi32> to vector<32x8732xi32>
      %ge3A_332 = arith.cmpi sge, %bitcast_convert_type3A, %ge3A_331 : vector<32x8732xi32>
      %convert_element_type3A_333 = arith.extui %ge3A_332 : vector<32x8732xi1> to vector<32x8732xi32>
      %reduce_sum3A_334 = arith.constant dense<0> : vector<32xi32>
      %reduce_sum3A_335 = vector.multi_reduction <add>, %convert_element_type3A_333, %reduce_sum3A_334 [1] : vector<32x8732xi32> to vector<32xi32>
      %broadcast_in_dim3A_336 = vector.shape_cast %reduce_sum3A_335 : vector<32xi32> to vector<32x1xi32>
      %ge3A_337 = arith.cmpi sge, %broadcast_in_dim3A_336, %convert_element_type3A_96 : vector<32x1xi32>
      %select_n3A_338 = arith.select %ge3A_337, %or3A_330, %select_n3A_327 : vector<32x1xi1>, vector<32x1xi32>
      %or3A_339 = arith.constant 256 : i32
      %or3A_340 = vector.broadcast %or3A_339 : i32 to vector<32x1xi32>
      %or3A_341 = arith.ori %select_n3A_338, %or3A_340 : vector<32x1xi32>
      %ge3A_342 = vector.broadcast %or3A_341 : vector<32x1xi32> to vector<32x8732xi32>
      %ge3A_343 = arith.cmpi sge, %bitcast_convert_type3A, %ge3A_342 : vector<32x8732xi32>
      %convert_element_type3A_344 = arith.extui %ge3A_343 : vector<32x8732xi1> to vector<32x8732xi32>
      %reduce_sum3A_345 = arith.constant dense<0> : vector<32xi32>
      %reduce_sum3A_346 = vector.multi_reduction <add>, %convert_element_type3A_344, %reduce_sum3A_345 [1] : vector<32x8732xi32> to vector<32xi32>
      %broadcast_in_dim3A_347 = vector.shape_cast %reduce_sum3A_346 : vector<32xi32> to vector<32x1xi32>
      %ge3A_348 = arith.cmpi sge, %broadcast_in_dim3A_347, %convert_element_type3A_96 : vector<32x1xi32>
      %select_n3A_349 = arith.select %ge3A_348, %or3A_341, %select_n3A_338 : vector<32x1xi1>, vector<32x1xi32>
      %or3A_350 = arith.constant 128 : i32
      %or3A_351 = vector.broadcast %or3A_350 : i32 to vector<32x1xi32>
      %or3A_352 = arith.ori %select_n3A_349, %or3A_351 : vector<32x1xi32>
      %ge3A_353 = vector.broadcast %or3A_352 : vector<32x1xi32> to vector<32x8732xi32>
      %ge3A_354 = arith.cmpi sge, %bitcast_convert_type3A, %ge3A_353 : vector<32x8732xi32>
      %convert_element_type3A_355 = arith.extui %ge3A_354 : vector<32x8732xi1> to vector<32x8732xi32>
      %reduce_sum3A_356 = arith.constant dense<0> : vector<32xi32>
      %reduce_sum3A_357 = vector.multi_reduction <add>, %convert_element_type3A_355, %reduce_sum3A_356 [1] : vector<32x8732xi32> to vector<32xi32>
      %broadcast_in_dim3A_358 = vector.shape_cast %reduce_sum3A_357 : vector<32xi32> to vector<32x1xi32>
      %ge3A_359 = arith.cmpi sge, %broadcast_in_dim3A_358, %convert_element_type3A_96 : vector<32x1xi32>
      %select_n3A_360 = arith.select %ge3A_359, %or3A_352, %select_n3A_349 : vector<32x1xi1>, vector<32x1xi32>
      %or3A_361 = arith.constant 64 : i32
      %or3A_362 = vector.broadcast %or3A_361 : i32 to vector<32x1xi32>
      %or3A_363 = arith.ori %select_n3A_360, %or3A_362 : vector<32x1xi32>
      %ge3A_364 = vector.broadcast %or3A_363 : vector<32x1xi32> to vector<32x8732xi32>
      %ge3A_365 = arith.cmpi sge, %bitcast_convert_type3A, %ge3A_364 : vector<32x8732xi32>
      %convert_element_type3A_366 = arith.extui %ge3A_365 : vector<32x8732xi1> to vector<32x8732xi32>
      %reduce_sum3A_367 = arith.constant dense<0> : vector<32xi32>
      %reduce_sum3A_368 = vector.multi_reduction <add>, %convert_element_type3A_366, %reduce_sum3A_367 [1] : vector<32x8732xi32> to vector<32xi32>
      %broadcast_in_dim3A_369 = vector.shape_cast %reduce_sum3A_368 : vector<32xi32> to vector<32x1xi32>
      %ge3A_370 = arith.cmpi sge, %broadcast_in_dim3A_369, %convert_element_type3A_96 : vector<32x1xi32>
      %select_n3A_371 = arith.select %ge3A_370, %or3A_363, %select_n3A_360 : vector<32x1xi1>, vector<32x1xi32>
      %or3A_372 = arith.constant 32 : i32
      %or3A_373 = vector.broadcast %or3A_372 : i32 to vector<32x1xi32>
      %or3A_374 = arith.ori %select_n3A_371, %or3A_373 : vector<32x1xi32>
      %ge3A_375 = vector.broadcast %or3A_374 : vector<32x1xi32> to vector<32x8732xi32>
      %ge3A_376 = arith.cmpi sge, %bitcast_convert_type3A, %ge3A_375 : vector<32x8732xi32>
      %convert_element_type3A_377 = arith.extui %ge3A_376 : vector<32x8732xi1> to vector<32x8732xi32>
      %reduce_sum3A_378 = arith.constant dense<0> : vector<32xi32>
      %reduce_sum3A_379 = vector.multi_reduction <add>, %convert_element_type3A_377, %reduce_sum3A_378 [1] : vector<32x8732xi32> to vector<32xi32>
      %broadcast_in_dim3A_380 = vector.shape_cast %reduce_sum3A_379 : vector<32xi32> to vector<32x1xi32>
      %ge3A_381 = arith.cmpi sge, %broadcast_in_dim3A_380, %convert_element_type3A_96 : vector<32x1xi32>
      %select_n3A_382 = arith.select %ge3A_381, %or3A_374, %select_n3A_371 : vector<32x1xi1>, vector<32x1xi32>
      %or3A_383 = arith.constant 16 : i32
      %or3A_384 = vector.broadcast %or3A_383 : i32 to vector<32x1xi32>
      %or3A_385 = arith.ori %select_n3A_382, %or3A_384 : vector<32x1xi32>
      %ge3A_386 = vector.broadcast %or3A_385 : vector<32x1xi32> to vector<32x8732xi32>
      %ge3A_387 = arith.cmpi sge, %bitcast_convert_type3A, %ge3A_386 : vector<32x8732xi32>
      %convert_element_type3A_388 = arith.extui %ge3A_387 : vector<32x8732xi1> to vector<32x8732xi32>
      %reduce_sum3A_389 = arith.constant dense<0> : vector<32xi32>
      %reduce_sum3A_390 = vector.multi_reduction <add>, %convert_element_type3A_388, %reduce_sum3A_389 [1] : vector<32x8732xi32> to vector<32xi32>
      %broadcast_in_dim3A_391 = vector.shape_cast %reduce_sum3A_390 : vector<32xi32> to vector<32x1xi32>
      %ge3A_392 = arith.cmpi sge, %broadcast_in_dim3A_391, %convert_element_type3A_96 : vector<32x1xi32>
      %select_n3A_393 = arith.select %ge3A_392, %or3A_385, %select_n3A_382 : vector<32x1xi1>, vector<32x1xi32>
      %or3A_394 = arith.constant 8 : i32
      %or3A_395 = vector.broadcast %or3A_394 : i32 to vector<32x1xi32>
      %or3A_396 = arith.ori %select_n3A_393, %or3A_395 : vector<32x1xi32>
      %ge3A_397 = vector.broadcast %or3A_396 : vector<32x1xi32> to vector<32x8732xi32>
      %ge3A_398 = arith.cmpi sge, %bitcast_convert_type3A, %ge3A_397 : vector<32x8732xi32>
      %convert_element_type3A_399 = arith.extui %ge3A_398 : vector<32x8732xi1> to vector<32x8732xi32>
      %reduce_sum3A_400 = arith.constant dense<0> : vector<32xi32>
      %reduce_sum3A_401 = vector.multi_reduction <add>, %convert_element_type3A_399, %reduce_sum3A_400 [1] : vector<32x8732xi32> to vector<32xi32>
      %broadcast_in_dim3A_402 = vector.shape_cast %reduce_sum3A_401 : vector<32xi32> to vector<32x1xi32>
      %ge3A_403 = arith.cmpi sge, %broadcast_in_dim3A_402, %convert_element_type3A_96 : vector<32x1xi32>
      %select_n3A_404 = arith.select %ge3A_403, %or3A_396, %select_n3A_393 : vector<32x1xi1>, vector<32x1xi32>
      %or3A_405 = arith.constant 4 : i32
      %or3A_406 = vector.broadcast %or3A_405 : i32 to vector<32x1xi32>
      %or3A_407 = arith.ori %select_n3A_404, %or3A_406 : vector<32x1xi32>
      %ge3A_408 = vector.broadcast %or3A_407 : vector<32x1xi32> to vector<32x8732xi32>
      %ge3A_409 = arith.cmpi sge, %bitcast_convert_type3A, %ge3A_408 : vector<32x8732xi32>
      %convert_element_type3A_410 = arith.extui %ge3A_409 : vector<32x8732xi1> to vector<32x8732xi32>
      %reduce_sum3A_411 = arith.constant dense<0> : vector<32xi32>
      %reduce_sum3A_412 = vector.multi_reduction <add>, %convert_element_type3A_410, %reduce_sum3A_411 [1] : vector<32x8732xi32> to vector<32xi32>
      %broadcast_in_dim3A_413 = vector.shape_cast %reduce_sum3A_412 : vector<32xi32> to vector<32x1xi32>
      %ge3A_414 = arith.cmpi sge, %broadcast_in_dim3A_413, %convert_element_type3A_96 : vector<32x1xi32>
      %select_n3A_415 = arith.select %ge3A_414, %or3A_407, %select_n3A_404 : vector<32x1xi1>, vector<32x1xi32>
      %or3A_416 = arith.constant 2 : i32
      %or3A_417 = vector.broadcast %or3A_416 : i32 to vector<32x1xi32>
      %or3A_418 = arith.ori %select_n3A_415, %or3A_417 : vector<32x1xi32>
      %ge3A_419 = vector.broadcast %or3A_418 : vector<32x1xi32> to vector<32x8732xi32>
      %ge3A_420 = arith.cmpi sge, %bitcast_convert_type3A, %ge3A_419 : vector<32x8732xi32>
      %convert_element_type3A_421 = arith.extui %ge3A_420 : vector<32x8732xi1> to vector<32x8732xi32>
      %reduce_sum3A_422 = arith.constant dense<0> : vector<32xi32>
      %reduce_sum3A_423 = vector.multi_reduction <add>, %convert_element_type3A_421, %reduce_sum3A_422 [1] : vector<32x8732xi32> to vector<32xi32>
      %broadcast_in_dim3A_424 = vector.shape_cast %reduce_sum3A_423 : vector<32xi32> to vector<32x1xi32>
      %ge3A_425 = arith.cmpi sge, %broadcast_in_dim3A_424, %convert_element_type3A_96 : vector<32x1xi32>
      %select_n3A_426 = arith.select %ge3A_425, %or3A_418, %select_n3A_415 : vector<32x1xi1>, vector<32x1xi32>
      %or3A_427 = arith.constant 1 : i32
      %or3A_428 = vector.broadcast %or3A_427 : i32 to vector<32x1xi32>
      %or3A_429 = arith.ori %select_n3A_426, %or3A_428 : vector<32x1xi32>
      %ge3A_430 = vector.broadcast %or3A_429 : vector<32x1xi32> to vector<32x8732xi32>
      %ge3A_431 = arith.cmpi sge, %bitcast_convert_type3A, %ge3A_430 : vector<32x8732xi32>
      %convert_element_type3A_432 = arith.extui %ge3A_431 : vector<32x8732xi1> to vector<32x8732xi32>
      %reduce_sum3A_433 = arith.constant dense<0> : vector<32xi32>
      %reduce_sum3A_434 = vector.multi_reduction <add>, %convert_element_type3A_432, %reduce_sum3A_433 [1] : vector<32x8732xi32> to vector<32xi32>
      %broadcast_in_dim3A_435 = vector.shape_cast %reduce_sum3A_434 : vector<32xi32> to vector<32x1xi32>
      %ge3A_436 = arith.cmpi sge, %broadcast_in_dim3A_435, %convert_element_type3A_96 : vector<32x1xi32>
      %select_n3A_437 = arith.select %ge3A_436, %or3A_429, %select_n3A_426 : vector<32x1xi1>, vector<32x1xi32>
      %bitcast_convert_type3A_438 = tpu.bitcast %select_n3A_437 : vector<32x1xi32> -> vector<32x1xf32>
      %gt3A_439 = vector.broadcast %select_n3A_437 : vector<32x1xi32> to vector<32x8732xi32>
      %gt3A_440 = arith.cmpi sgt, %bitcast_convert_type3A, %gt3A_439 : vector<32x8732xi32>
      %convert_element_type3A_441 = arith.extui %gt3A_440 : vector<32x8732xi1> to vector<32x8732xi32>
      %convert_element_type3A_442 = arith.sitofp %convert_element_type3A_441 : vector<32x8732xi32> to vector<32x8732xf32>
      %reduce_sum3A_443 = arith.constant dense<0.000000e+00> : vector<32xf32>
      %reduce_sum3A_444 = vector.multi_reduction <add>, %convert_element_type3A_442, %reduce_sum3A_443 [1] : vector<32x8732xf32> to vector<32xf32>
      %broadcast_in_dim3A_445 = vector.shape_cast %reduce_sum3A_444 : vector<32xf32> to vector<32x1xf32>
      %jit3A_446 = arith.constant 0.000000e+00 : f32
      %broadcast_in_dim3A_447 = vector.broadcast %jit3A_446 : f32 to vector<32x8732xf32>
      %select_n3A_448 = arith.select %gt3A_440, %get3A_86, %broadcast_in_dim3A_447 : vector<32x8732xi1>, vector<32x8732xf32>
      %reduce_sum3A_449 = arith.constant dense<0.000000e+00> : vector<32xf32>
      %reduce_sum3A_450 = vector.multi_reduction <add>, %select_n3A_448, %reduce_sum3A_449 [1] : vector<32x8732xf32> to vector<32xf32>
      %broadcast_in_dim3A_451 = vector.shape_cast %reduce_sum3A_450 : vector<32xf32> to vector<32x1xf32>
      %gt3A_452 = arith.constant 0 : i32
      %gt3A_453 = vector.broadcast %gt3A_452 : i32 to vector<32x1xi32>
      %gt3A_454 = arith.cmpi sgt, %convert_element_type3A_96, %gt3A_453 : vector<32x1xi32>
      %sub3A_455 = arith.subf %min3A, %broadcast_in_dim3A_445 : vector<32x1xf32>
      %mul3A_456 = arith.mulf %sub3A_455, %bitcast_convert_type3A_438 : vector<32x1xf32>
      %add3A = arith.addf %broadcast_in_dim3A_451, %mul3A_456 : vector<32x1xf32>
      %jit3A_457 = arith.constant 0.000000e+00 : f32
      %broadcast_in_dim3A_458 = vector.broadcast %jit3A_457 : f32 to vector<32x1xf32>
      %select_n3A_459 = arith.select %gt3A_454, %add3A, %broadcast_in_dim3A_458 : vector<32x1xi1>, vector<32x1xf32>
      %get3A_460 = arith.constant 0 : index
      %get3A_461 = arith.constant 0 : index
      %get3A_462 = vector.load %arg10[%get3A_460, %get3A_461] : memref<32x128xf32, #tpu.memory_space<vmem>>, vector<32x1xf32>
      %reduce_sum3A_463 = vector.shape_cast %get3A_462 : vector<32x1xf32> to vector<1x32x1xf32>
      %reduce_sum3A_464 = arith.constant dense<0.000000e+00> : vector<1xf32>
      %reduce_sum3A_465 = vector.multi_reduction <add>, %reduce_sum3A_463, %reduce_sum3A_464 [1, 2] : vector<1x32x1xf32> to vector<1xf32>
      %reduce_sum3A_466 = vector.shape_cast %reduce_sum3A_465 : vector<1xf32> to vector<1x1x1xf32>
      %reduce_sum3A_467 = vector.extract %reduce_sum3A_466[0, 0, 0] : f32 from vector<1x1x1xf32>
      %reduce_sum3A_468 = vector.shape_cast %select_n3A_459 : vector<32x1xf32> to vector<1x32x1xf32>
      %reduce_sum3A_469 = arith.constant dense<0.000000e+00> : vector<1xf32>
      %reduce_sum3A_470 = vector.multi_reduction <add>, %reduce_sum3A_468, %reduce_sum3A_469 [1, 2] : vector<1x32x1xf32> to vector<1xf32>
      %reduce_sum3A_471 = vector.shape_cast %reduce_sum3A_470 : vector<1xf32> to vector<1x1x1xf32>
      %reduce_sum3A_472 = vector.extract %reduce_sum3A_471[0, 0, 0] : f32 from vector<1x1x1xf32>
      %add3A_473 = arith.addf %reduce_sum3A_467, %reduce_sum3A_472 : f32
      %reshape3A = vector.broadcast %add3A_473 : f32 to vector<1x1xf32>
      %swap3A_474 = arith.constant 0 : index
      %swap3A_475 = arith.constant 0 : index
      %swap3A_476 = vector.load %arg5[%swap3A_474, %swap3A_475] : memref<1x1xf32, #tpu.memory_space<vmem>>, vector<1x1xf32>
      tpu.vector_store %arg5[%swap3A_474, %swap3A_475], %reshape3A {strides = array<i32>} : memref<1x1xf32, #tpu.memory_space<vmem>>, vector<1x1xf32>,
      %get3A_477 = arith.constant 0 : index
      %get3A_478 = arith.constant 0 : index
      %get3A_479 = vector.load %arg11[%get3A_477, %get3A_478] : memref<32x128xf32, #tpu.memory_space<vmem>>, vector<32x1xf32>
      %reduce_sum3A_480 = vector.shape_cast %get3A_479 : vector<32x1xf32> to vector<1x32x1xf32>
      %reduce_sum3A_481 = arith.constant dense<0.000000e+00> : vector<1xf32>
      %reduce_sum3A_482 = vector.multi_reduction <add>, %reduce_sum3A_480, %reduce_sum3A_481 [1, 2] : vector<1x32x1xf32> to vector<1xf32>
      %reduce_sum3A_483 = vector.shape_cast %reduce_sum3A_482 : vector<1xf32> to vector<1x1x1xf32>
      %reduce_sum3A_484 = vector.extract %reduce_sum3A_483[0, 0, 0] : f32 from vector<1x1x1xf32>
      %reshape3A_485 = vector.broadcast %reduce_sum3A_484 : f32 to vector<1x1xf32>
      %swap3A_486 = arith.constant 0 : index
      %swap3A_487 = arith.constant 0 : index
      %swap3A_488 = vector.load %arg6[%swap3A_486, %swap3A_487] : memref<1x1xf32, #tpu.memory_space<vmem>>, vector<1x1xf32>
      tpu.vector_store %arg6[%swap3A_486, %swap3A_487], %reshape3A_485 {strides = array<i32>} : memref<1x1xf32, #tpu.memory_space<vmem>>, vector<1x1xf32>,
      %reduce_sum3A_489 = vector.shape_cast %get3A_89 : vector<32x1xf32> to vector<1x32x1xf32>
      %reduce_sum3A_490 = arith.constant dense<0.000000e+00> : vector<1xf32>
      %reduce_sum3A_491 = vector.multi_reduction <add>, %reduce_sum3A_489, %reduce_sum3A_490 [1, 2] : vector<1x32x1xf32> to vector<1xf32>
      %reduce_sum3A_492 = vector.shape_cast %reduce_sum3A_491 : vector<1xf32> to vector<1x1x1xf32>
      %reduce_sum3A_493 = vector.extract %reduce_sum3A_492[0, 0, 0] : f32 from vector<1x1x1xf32>
      %reshape3A_494 = vector.broadcast %reduce_sum3A_493 : f32 to vector<1x1xf32>
      %swap3A_495 = arith.constant 0 : index
      %swap3A_496 = arith.constant 0 : index
      %swap3A_497 = vector.load %arg7[%swap3A_495, %swap3A_496] : memref<1x1xf32, #tpu.memory_space<vmem>>, vector<1x1xf32>
      tpu.vector_store %arg7[%swap3A_495, %swap3A_496], %reshape3A_494 {strides = array<i32>} : memref<1x1xf32, #tpu.memory_space<vmem>>, vector<1x1xf32>,
    } else {
    }
    return
  }
  func.func @transform_0(%arg0: i32) -> (i32, i32, i32) {
    %c0_i32 = arith.constant 0 : i32
    %c0_i32_0 = arith.constant 0 : i32
    %c0_i32_1 = arith.constant 0 : i32
    return %arg0, %c0_i32, %c0_i32_0 : i32, i32, i32
  }
  func.func @transform_1(%arg0: i32) -> (i32, i32) {
    %c0_i32 = arith.constant 0 : i32
    %c0_i32_0 = arith.constant 0 : i32
    %c0_i32_1 = arith.constant 0 : i32
    return %c0_i32, %c0_i32_0 : i32, i32
  }
  func.func @transform_2(%arg0: i32) -> (i32, i32, i32) {
    %c0_i32 = arith.constant 0 : i32
    %c0_i32_0 = arith.constant 0 : i32
    %c0_i32_1 = arith.constant 0 : i32
    return %arg0, %c0_i32, %c0_i32_0 : i32, i32, i32
  }
  func.func @transform_3(%arg0: i32) -> (i32, i32, i32) {
    %c0_i32 = arith.constant 0 : i32
    %c0_i32_0 = arith.constant 0 : i32
    %c0_i32_1 = arith.constant 0 : i32
    return %arg0, %c0_i32, %c0_i32_0 : i32, i32, i32
  }
  func.func @transform_4(%arg0: i32) -> (i32, i32) {
    %c0_i32 = arith.constant 0 : i32
    %c0_i32_0 = arith.constant 0 : i32
    %c0_i32_1 = arith.constant 0 : i32
    return %c0_i32, %c0_i32_0 : i32, i32
  }
  func.func @transform_5(%arg0: i32) -> (i32, i32) {
    %c0_i32 = arith.constant 0 : i32
    %c0_i32_0 = arith.constant 0 : i32
    %c0_i32_1 = arith.constant 0 : i32
    return %c0_i32, %c0_i32_0 : i32, i32
  }
  func.func @transform_6(%arg0: i32) -> (i32, i32) {
    %c0_i32 = arith.constant 0 : i32
    %c0_i32_0 = arith.constant 0 : i32
    %c0_i32_1 = arith.constant 0 : i32
    return %c0_i32, %c0_i32_0 : i32, i32
  }
}

</mosaic_0001>

<sc_bundles>
// kernel: sparse-core-data-format-call.cloned.1.call-start
scs
called_computation_lowered:
.L_overlay_start_0:
0x0: {  	s1 =	sld [smem:$0x3FD9]  }
0x1: {  	s2 =	sld [smem:$0x3FFE];
	_ =	sdelay $0x1  }
0x2: {  	s3 =	srdreg.scid  }
0x3: {  	s0 =	sand.u32 $0x1, s3  }
0x4: {  	s17 =	sshll.u32 s0, $0xA;
	s1 =	sadd.s32 s2, s1  }
0x5: {  	s1 =	sadd.s32 s1, s17  }
0x6: {  	[smem:$0x3FC4] =	sst s1  }
0x7: {  	_ = 	snop  }
0x8: {  	(tm) =	ssettm $0x1  }
0x9: {  	s18 =	sld [smem:$0x3FFB];
	_ =	sdelay $0x3  }
0xa: {  	_ =	strace s18  }
0xb: {  	s1 =	sld [smem:$0x3FFC];
	_ =	sdelay $0x3  }
0xc: {  	_ =	strace s1  }
0xd: {  	s1 =	sld [smem:$0x3FFD];
	_ =	sdelay $0x3  }
0xe: {  	_ =	strace s1  }
0xf: {  	_ =	strace $0x8FFFFFFF  }
0x10: {  	s19 =	sld [smem:$0x3FDB];
	_ =	sdelay $0x1  }
0x11: {  	s20 =	simm.s32 $_scs_section_size  }
0x12: {  	s4 =	simm.s32 $_size__tile_overlayer_lowered;
	s5 =	simm.s32 $_tile_overlayer_lowered  }
0x13: {  	s23 =	simm.s32 $0x1BFF;
	s22 =	sshll.u32 s5, $0x1;
	s1 =	sadd.s32 s20, s19  }
0x14: {  	s6 =	simm.s32 $0x0;
	s21 =	sshll.u32 s4, $0x1;
	s4 =	sadd.s32 s22, s1  }
0x15: {  	[timem:s6], [sflag:s23] =	dma.local [hbm:s4], s21  }
0x16: {  	_ =	swait.ge [sflag:s23], s21  }
0x17: {  	s2 =	ssub.s32 $0x0, s21;
	[sflag:s23] =	ssyncset.done $0x0  }
0x18: {  	[sflag:s23] =	ssyncadd.s32 s2;
	_ =	sdelay $0x1  }
0x19: {  	s24 =	simm.s32 $0x1B8B  }
0x1a: {  	_ =	swait.ge [sflag:s24], $0x1  }
0x1b: {  	[sflag:s24] =	ssyncset.done $0x0  }
0x1c: {  	s26 =	simm.s32 $0x1B8E;
	s25 =	sld [smem:$0x3FFE];
	[sflag:s24] =	ssyncadd.s32 $0xFFFFFFFF  }
0x1d: {  	s27 =	simm.s32 $execute0_lowered;
	[smem:$0x3FD2] =	sst s26  }
0x1e: {  	s4 =	sshll.u32 s27, $0x1;
	_ =	strace $0x80000046;
	[dreg:$0x1] =	wrdreg $0xFFFFFFFF  }
0x1f: {  	s28 =	simm.s32 $_size_execute0_lowered;
	s1 =	sadd.s32 s1, s4;
	[dreg:$0x0] =	wrdreg $0x0  }
0x20: {  	s4 =	sshll.u32 s28, $0x1;
	[dreg:$0x2] =	wrdreg s1  }
0x21: {  	[dreg:$0x3] =	wrdreg s4  }
0x22: {  	[dreg:$0x4] =	wrdreg $0xC0  }
0x23: {  	_ =	task [dreg:s6], $0x5FFFF  }
0x24: {  	[dreg:$0x1] =	wrdreg $0xFFFFFFFF  }
0x25: {  	[dreg:$0x0] =	wrdreg $0x60  }
0x26: {  	[dreg:$0x2] =	wrdreg s25  }
0x27: {  	[dreg:$0x3] =	wrdreg $0x9  }
0x28: {  	_ =	task.clear_ibuf [dreg:s6], $0x4FFFF;
	_ =	strace $0x90000046  }
0x29: {  	s29 =	simm.s32 $0x9;
	_ =	strace $0x80000048  }
0x2a: {  	_ =	swait.ge [sflag:s29], $0x1  }
0x2b: {  	[sflag:s29] =	ssyncadd.s32 $0xFFFFFFFF  }
0x2c: {  	_ =	strace $0x90000048  }
0x2d: {  	_ =	sfence  }
0x2e: {  	s30 =	sld [smem:$0x0];
	_ =	sdelay $0x2  }
0x2f: {  	s31 =	sshll.u32 s3, $0xD;
	s3 =	sshrl.u32 s3, $0x2  }
0x30: {  	s2 =	sand.u32 $0x4000, s31;
	s1 =	sadd.s32 s3, s30  }
0x31: {  	s0 =	sor.u32 s2, s0;
	s1 =	sshll.u32 s1, $0x11  }
0x32: {  	s0 =	sor.u32 s1, s0  }
0x33: {  	s0 =	sadd.s32 $0x8F2B, s0  }
0x34: {  	[sflag:s0] =	ssyncadd.remote.s32 $0x1  }
0x35: {  	_ =	sfence.sel $0xFFFF  }
0x36: {  	[dreg:$0x0] =	wrdreg $0xFFFFFFFF;
	(pc) =	sbr.abs _section_cstart, $3  }
0x37: {  	[dreg:$0x1] =	wrdreg $0xFFFFFFFF  }
0x38: {  	_ =	task.clear_ibuf [dreg:s6], $0x2FFFF;
	_ =	strace $0x9FFFFFFF  }
0x39: {  	(tm) =	ssettm $0x7FFFFFFF  }
tec
execute0_lowered:
.L_overlay_start_1:
0x0: {  	(tag) =	ssettag $0x1  }
0x1: {  	s0 =	srdreg.scid;
	s5 =	rddreg [dreg:$0x0];
	s6 =	simm.s32 $0x2  }
0x2: {  	s15 =	simm.s32 $0x0;
	s8 =	simm.s32 $0x5EE00;
	s1 =	sshll.u32 s0, $0x4  }
0x3: {  	s9 =	simm.s32 $0x0;
	s0 =	stileid.u32;
	s1 =	sand.u32 $0x10, s1  }
0x4: {  	s14 =	simm.s32 $0x0;
	s16 =	simm.s32 $0x0;
	s1 =	sor.u32 s0, s1  }
0x5: {  	s11 =	simm.s32 $0x0;
	s12 =	simm.s32 $0x0;
	s2 =	sshll.u32 s1, $0x7  }
.Ltmp0:
0x6: {  	s13 =	simm.s32 $0x0;
	s3 =	ssub.s32 $0x2200, s2;
	(pc) =	sbr.rel .LBB1_1-.Ltmp0, $4  }
0x7: {  	s1 =	rddreg [dreg:$0x1];
	_ =	strace $0x80000047;
	s4 =	sshrl.u32 s3, $0xC  }
0x8: {  	s10 =	smov.u32 s2;
	s3 =	simm.s32 $0x1;
	s7 =	smul.u32 $0xB, s4  }
0x9: {  	s4 =	sadd.s32 $0x1800, s5;
	[sflag:s3] =	ssyncpa.u1 $0x0;
	s5 =	sadd.s32 $0x15EE00, s5  }
0xa: {  	[sflag:s6] =	ssyncpa.u1 $0x0;
	s6 =	sadd.s32 $0xB, s7;
	s7 =	sadd.s32 $0xC, s7  }
.LBB1_7:
0xb: {  	s17 =	sadd.s32 $0x1000, s10  }
0xc: {  	s14 =	sadd.s32 $0x20, s11;
	s18 =	smov.u32 s11;
	p1 =	sgt.s32 s17, $0x221B  }
0xd: {  	s18 =	smov.u32 @p1 s14  }
0xe: {  	s20 =	smov.u32 s12;
	s14 =	sadd.s32 $0x8, s12;
	p2 =	sgt.s32 s18, $0x1F  }
0xf: {  	s20 =	smov.u32 @p2 s14  }
0x10: {  	s17 =	smov.u32 @p1 s2;
	p1 =	sgt.s32 s20, $0x50  }
0x11: {  	p0 =	slt.u32 s13, $0x2;
	s20 =	simm.s32 @p1 $0x0;
	p1 =	sne.s32 s13, s7  }
.Ltmp1:
0x12: {  	s19 =	simm.s32 @!p0 $0x2;
	(pc) =	sbr.rel @!p1 .LBB1_8-.Ltmp1, $4  }
0x13: {  	s15 =	smov.u32 s10;
	s16 =	smov.u32 s12;
	_ =	swait.ge @!p0 [sflag:s19], $0x4000  }
0x14: {  	s9 =	sadd.s32 $0x8000, s9;
	[sflag:s19] =	ssyncset.done @!p0 $0x0;
	s10 =	smov.u32 s17  }
0x15: {  	s18 =	simm.s32 @p2 $0x0;
	s14 =	smov.u32 s11;
	[sflag:s19] =	ssyncadd.s32 @!p0 $0xFFFFC000  }
0x16: {  	s11 =	smov.u32 s18;
	s13 =	sadd.s32 $0x1, s13;
	s12 =	smov.u32 s20  }
.LBB1_1:
0x17: {  	p0 =	sge.u32 s13, s6;
	s21 =	smov.u32 s10  }
0x18: {  	s17 =	sshrl.u32 @!p0 s11, $0x3;
	s18 =	sshll.u32 @!p0 s10, $0x3;
	s19 =	sshll.u32 @!p0 s11, $0x7  }
0x19: {  	p1 =	sgt.s32 @!p0 s12, $0x49;
	s20 =	sshra.s32 @!p0 s12, $0x1F;
	s17 =	smul.u32 @!p0 $0x11400, s17  }
0x1a: {  	s22 =	sshra.s32 @!p0 s10, $0x1F;
	s18 =	sand.u32 @!p0 $0xFFFFFC00, s18;
	p1 =	por !p1, p0  }
0x1b: {  	s17 =	sadd.s32 @!p0 s17, s18;
	s18 =	sand.u32 @!p0 $0x300, s19;
	s19 =	sshll.u32 @!p0 s10, $0x1  }
0x1c: {  	s20 =	sand.u32 @!p0 s20, s12;
	s17 =	sor.u32 @!p0 s18, s17;
	s18 =	sand.u32 @!p0 $0xFE, s19  }
0x1d: {  	s19 =	sand.u32 @!p0 $0x1, s11;
	s17 =	sor.u32 @!p0 s18, s17;
	s18 =	smov.u32 s12  }
0x1e: {  	s18 =	simm.s32 @p1 $0x49;
	p1 =	sgt.s32 @!p0 s10, $0x2200;
	s19 =	sor.u32 @!p0 s19, s17  }
0x1f: {  	s17 =	smulhi.u32 @!p0 $0x76B981DB, s17;
	p1 =	por !p1, p0;
	s18 =	ssub.s32 @!p0 s18, s20  }
0x20: {  	s20 =	sand.u32 @!p0 s22, s10;
	s21 =	simm.s32 @p1 $0x2200;
	s22 =	sadd.s32 @!p0 $0xFFFFFFB7, s18  }
0x21: {  	s18 =	ssub.s32 @!p0 $0x51, s18;
	s17 =	sshrl.u32 @!p0 s17, $0xC;
	s20 =	ssub.s32 @!p0 s21, s20  }
0x22: {  	p1 =	sgt.s32 @!p0 s22, $0x7;
	s21 =	ssub.s32 @!p0 $0x0, s11;
	s17 =	sand.u32 @!p0 $0x1F, s17  }
0x23: {  	s22 =	sadd.s32 @!p0 $0xFFFFDE00, s20;
	s21 =	smin.u32 @!p0 s11, s21;
	p1 =	por !p1, p0  }
0x24: {  	p2 =	sgt.s32 @!p0 s22, $0x7F;
	s22 =	smulhi.u32 @!p0 $0x76B981DB, s19;
	p3 =	sgt.s32 @!p0 s21, $0x1F  }
0x25: {  	s18 =	simm.s32 @!p1 $0x0;
	s21 =	ssub.s32 @!p0 $0x20, s21;
	p1 =	por !p3, p0  }
0x26: {  	s20 =	ssub.s32 @!p0 $0x2280, s20;
	s17 =	smul.u32 @!p0 $0x228, s17;
	s21 =	simm.s32 @!p1 $0x0  }
0x27: {  	s22 =	sshrl.u32 @!p0 s22, $0xC;
	p1 =	por !p2, p0;
	s18 =	smul.u32 @!p0 s21, s18  }
0x28: {  	s21 =	smul.u32 @!p0 $0x2280, s22;
	s20 =	simm.s32 @!p1 $0x0  }
0x29: {  	s18 =	smul.u32 @!p0 s20, s18  }
0x2a: {  	s22 =	sxor.u32 @!p0 $0xFFFFFFFF, s13;
	s20 =	smul.u32 @!p0 $0x4500, s12;
	s19 =	ssub.s32 @!p0 s19, s21  }
0x2b: {  	s21 =	sshrl.u32 @!p0 s19, $0x4;
	s19 =	sshll.u32 @!p0 s19, $0x11;
	s18 =	sshrl.u32 @!p0 s18, $0x1  }
0x2c: {  	s20 =	sadd.s32 @!p0 s4, s20;
	s19 =	sand.u32 @!p0 $0x1C0000, s19;
	s18 =	sand.u32 @!p0 $0x3FFFFFFF, s18  }
0x2d: {  	s17 =	sadd.s32 @!p0 s17, s20;
	s20 =	sshll.u32 @!p0 s22, $0xE;
	s19 =	sor.u32 @!p0 $0x200, s19  }
0x2e: {  	s17 =	sadd.s32 @!p0 s21, s17;
	s20 =	sand.u32 @!p0 $0x4000, s20;
	s21 =	simm.s32 @!p0 $0x8A00  }
0x2f: {  	[tilespmem:s20], [sflag:$0x1] =	stream.strided.gather @!p0 [hbm4b:s17+s19], s18, s21, s19, $0x38;
	[tilespmem:$0x10000] =	vst v63  }
0x30: {  	p0 =	seq.s32 s13, $0x0  }
0x31: {  	p1 =	sge.u32 @!p0 s13, s7  }
0x32: {  	p0 =	por p0, p1  }
.Ltmp2:
0x33: {  	_ = 	snop;
	(pc) =	sbr.rel @p0 .LBB1_7-.Ltmp2, $1  }
0x34: {  	_ =	sdelay $0x3  }
0x35: {  	p0 =	sgt.s32 s16, $0x49  }
0x36: {  	s17 =	smov.u32 s16;
	s18 =	sshra.s32 s16, $0x1F;
	s28 =	ssub.s32 $0x0, s14  }
0x37: {  	p1 =	sgt.s32 s15, $0x2200;
	s17 =	simm.s32 @!p0 $0x49;
	s18 =	sand.u32 s18, s16  }
0x38: {  	s19 =	smov.u32 s15;
	s20 =	sshra.s32 s15, $0x1F;
	s17 =	ssub.s32 s17, s18  }
0x39: {  	s19 =	simm.s32 @!p1 $0x2200;
	s20 =	sand.u32 s20, s15;
	s18 =	sadd.s32 $0xFFFFFFB7, s17  }
0x3a: {  	s19 =	ssub.s32 s19, s20;
	p0 =	sgt.s32 s18, $0x7;
	s18 =	smin.u32 s14, s28  }
0x3b: {  	s17 =	ssub.s32 $0x51, s17;
	p1 =	sgt.s32 s18, $0x1F;
	s18 =	ssub.s32 $0x20, s18  }
0x3c: {  	s20 =	sadd.s32 $0xFFFFDE00, s19;
	s17 =	simm.s32 @p0 $0x0;
	s18 =	simm.s32 @p1 $0x0  }
0x3d: {  	p0 =	sgt.s32 s20, $0x7F;
	s17 =	smul.u32 s18, s17;
	s18 =	ssub.s32 $0x2280, s19  }
0x3e: {  	s18 =	simm.s32 @p0 $0x0  }
0x3f: {  	s17 =	smul.u32 s18, s17;
	_ =	sdelay $0x1  }
0x40: {  	s29 =	sshrl.u32 s9, $0x1;
	s17 =	sshrl.u32 s17, $0x1  }
0x41: {  	s31 =	sshll.u32 s13, $0xE;
	s30 =	sand.u32 $0x4000, s29;
	s17 =	sand.u32 $0x3FFFFFFF, s17  }
0x42: {  	s20 =	sand.u32 $0x4000, s31;
	s19 =	sor.u32 $0x8200, s30;
	_ =	swait.ge [sflag:s3], s17  }
0x43: {  	s18 =	sor.u32 $0x800, s30;
	s17 =	ssub.s32 $0x0, s17;
	[sflag:s3] =	ssyncset.done $0x0  }
0x44: {  	[sflag:s3] =	ssyncadd.s32 s17;
	s17 =	sor.u32 $0x8000, s20;
	s20 =	simm.s32 $0x0  }
.LBB1_3:
0x45: {  	v0 =	vld [tilespmem:s18+$0xFFFFF870]  }
0x46: {  	v1 =	vld [tilespmem:s18+$0x70]  }
0x47: {  	v2 =	vld [tilespmem:s18+$0x0]  }
0x48: {  	v3 =	vld [tilespmem:s18+$0xFFFFF810]  }
0x49: {  	v4 =	vld [tilespmem:s18+$0x10]  }
0x4a: {  	v5 =	vld [tilespmem:s18+$0xFFFFF820]  }
0x4b: {  	v7 =	vld [tilespmem:s18+$0x20]  }
0x4c: {  	v11 =	vld [tilespmem:s18+$0x30];
	v6 =	vunpack.i.l.s16.s32 v0;
	v8 =	vunpack.i.u.s16.s32 v0;
	v9 =	vunpack.i.u.s16.s32 v1  }
0x4d: {  	v10 =	vunpack.i.l.s16.s32 v1;
	v0 =	vunpack.i.u.s16.s32 v2;
	v1 =	vunpack.i.l.s16.s32 v2;
	v2 =	vld [tilespmem:s18+$0xFFFFF830]  }
0x4e: {  	v8 =	vpack.i.b32.b16 v9, v8;
	v9 =	vunpack.i.u.s16.s32 v3;
	v3 =	vunpack.i.l.s16.s32 v3  }
0x4f: {  	v12 =	vld [tilespmem:s18+$0xFFFFF840];
	v6 =	vpack.i.b32.b16 v10, v6;
	[tilespmem:s19+$0x70] =	vst v8;
	v8 =	vunpack.i.u.s16.s32 v4;
	v4 =	vunpack.i.l.s16.s32 v4  }
0x50: {  	v13 =	vld [tilespmem:s18+$0x40];
	v10 =	vunpack.i.u.s16.s32 v5;
	v5 =	vunpack.i.l.s16.s32 v5;
	[tilespmem:s19+$0xFFFFFE70] =	vst v6;
	v3 =	vpack.i.b32.b16 v4, v3  }
0x51: {  	v6 =	vunpack.i.l.s16.s32 v7;
	v4 =	vld [tilespmem:s18+$0xFFFFF850];
	[tilespmem:s19+$0xFFFFFE10] =	vst v3;
	v3 =	vpack.i.b32.b16 v8, v9;
	v8 =	vunpack.i.u.s16.s32 v7  }
0x52: {  	v7 =	vunpack.i.l.s16.s32 v11;
	[tilespmem:s19+$0x10] =	vst v3;
	v3 =	vpack.i.b32.b16 v6, v5;
	v9 =	vunpack.i.u.s16.s32 v2;
	v6 =	vld [tilespmem:s18+$0x50]  }
0x53: {  	v5 =	vunpack.i.l.s16.s32 v2;
	v2 =	vld [tilespmem:s18+$0xFFFFF860];
	[tilespmem:s19+$0xFFFFFE20] =	vst v3;
	v3 =	vpack.i.b32.b16 v8, v10;
	v10 =	vunpack.i.u.s16.s32 v11  }
0x54: {  	s23 =	simm.s32 $0x0;
	v11 =	vpack.i.b32.b16 v7, v5;
	v7 =	vunpack.i.u.s16.s32 v12;
	v8 =	vunpack.i.l.s16.s32 v12;
	[tilespmem:s19+$0x20] =	vst v3;
	v3 =	vld [tilespmem:s18+$0x60]  }
0x55: {  	s24 =	sadd.s32 $0x80, s18;
	s22 =	smov.u32 s19;
	s21 =	smov.u32 s19;
	v5 =	vld [tilespmem:s18+$0xFFFFF800];
	[tilespmem:s19+$0xFFFFFE30] =	vst v11;
	v10 =	vpack.i.b32.b16 v10, v9;
	v9 =	vunpack.i.u.s16.s32 v13;
	v11 =	vunpack.i.l.s16.s32 v13  }
.LBB1_4:
0x56: {  	v12 =	vld [tilespmem:s24+$0xFFFFF870];
	[tilespmem:s22+$0x30] =	vst v10;
	v8 =	vpack.i.b32.b16 v11, v8;
	v10 =	vunpack.i.u.s16.s32 v4;
	v4 =	vunpack.i.l.s16.s32 v4  }
0x57: {  	s23 =	sadd.s32 $0x2, s23;
	v7 =	vpack.i.b32.b16 v9, v7;
	v11 =	vld [tilespmem:s24+$0x70];
	[tilespmem:s22+$0xFFFFFE40] =	vst v8;
	v8 =	vunpack.i.u.s16.s32 v6;
	v6 =	vunpack.i.l.s16.s32 v6  }
0x58: {  	p0 =	slt.u32 s23, $0x1E;
	v9 =	vld [tilespmem:s24+$0x0];
	[tilespmem:s22+$0x40] =	vst v7;
	v4 =	vpack.i.b32.b16 v6, v4;
	v6 =	vunpack.i.u.s16.s32 v2;
	v2 =	vunpack.i.l.s16.s32 v2  }
0x59: {  	v7 =	vld [tilespmem:s24+$0xFFFFF810];
	[tilespmem:s22+$0xFFFFFE50] =	vst v4;
	v4 =	vpack.i.b32.b16 v8, v10;
	v8 =	vunpack.i.u.s16.s32 v3;
	v3 =	vunpack.i.l.s16.s32 v3  }
0x5a: {  	v10 =	vld [tilespmem:s24+$0x10];
	v13 =	vunpack.i.u.s16.s32 v5;
	v5 =	vunpack.i.l.s16.s32 v5;
	[tilespmem:s22+$0x50] =	vst v4;
	v2 =	vpack.i.b32.b16 v3, v2  }
0x5b: {  	v3 =	vld [tilespmem:s24+$0xFFFFF820];
	v4 =	vunpack.i.l.s16.s32 v12;
	v1 =	vpack.i.b32.b16 v1, v5;
	v5 =	vpack.i.b32.b16 v0, v13;
	[tilespmem:s22+$0xFFFFFE60] =	vst v2  }
0x5c: {  	v12 =	vunpack.i.u.s16.s32 v12;
	v2 =	vld [tilespmem:s24+$0x20];
	v13 =	vunpack.i.u.s16.s32 v11;
	v11 =	vunpack.i.l.s16.s32 v11;
	[tilespmem:s22+$0xFFFFFE00] =	vst v1  }
0x5d: {  	s22 =	sadd.s32 $0x400, s22;
	v0 =	vunpack.i.u.s16.s32 v9;
	v1 =	vunpack.i.l.s16.s32 v9;
	v9 =	vld [tilespmem:s24+$0xFFFFF830];
	v12 =	vpack.i.b32.b16 v13, v12;
	[tilespmem:s21+$0x0] =	vst v5  }
0x5e: {  	v6 =	vpack.i.b32.b16 v8, v6;
	v5 =	vunpack.i.u.s16.s32 v7;
	v7 =	vunpack.i.l.s16.s32 v7;
	v13 =	vld [tilespmem:s24+$0x30];
	[tilespmem:s22+$0x70] =	vst v12  }
0x5f: {  	v4 =	vpack.i.b32.b16 v11, v4;
	v8 =	vunpack.i.u.s16.s32 v10;
	v10 =	vunpack.i.l.s16.s32 v10;
	v12 =	vld [tilespmem:s24+$0xFFFFF840];
	[tilespmem:s21+$0x60] =	vst v6;
	s21 =	smov.u32 s22  }
0x60: {  	v6 =	vpack.i.b32.b16 v10, v7;
	v7 =	vunpack.i.u.s16.s32 v3;
	v3 =	vunpack.i.l.s16.s32 v3;
	v11 =	vld [tilespmem:s24+$0x40];
	[tilespmem:s22+$0xFFFFFE70] =	vst v4  }
.Ltmp3:
0x61: {  	v5 =	vpack.i.b32.b16 v8, v5;
	[tilespmem:s22+$0xFFFFFE10] =	vst v6;
	v8 =	vunpack.i.u.s16.s32 v2;
	v2 =	vunpack.i.l.s16.s32 v2;
	v4 =	vld [tilespmem:s24+$0xFFFFF850];
	(pc) =	sbr.rel @p0 .LBB1_4-.Ltmp3, $4  }
0x62: {  	[tilespmem:s22+$0x10] =	vst v5;
	v2 =	vpack.i.b32.b16 v2, v3;
	v10 =	vunpack.i.u.s16.s32 v9;
	v3 =	vunpack.i.l.s16.s32 v9;
	v6 =	vld [tilespmem:s24+$0x50]  }
0x63: {  	v5 =	vpack.i.b32.b16 v8, v7;
	[tilespmem:s22+$0xFFFFFE20] =	vst v2;
	v9 =	vunpack.i.u.s16.s32 v13;
	v7 =	vunpack.i.l.s16.s32 v13;
	v2 =	vld [tilespmem:s24+$0xFFFFF860]  }
0x64: {  	[tilespmem:s22+$0x20] =	vst v5;
	v13 =	vpack.i.b32.b16 v7, v3;
	v7 =	vunpack.i.u.s16.s32 v12;
	v8 =	vunpack.i.l.s16.s32 v12;
	v3 =	vld [tilespmem:s24+$0x60]  }
0x65: {  	v10 =	vpack.i.b32.b16 v9, v10;
	v5 =	vld [tilespmem:s24+$0xFFFFF800];
	[tilespmem:s22+$0xFFFFFE30] =	vst v13;
	v9 =	vunpack.i.u.s16.s32 v11;
	v11 =	vunpack.i.l.s16.s32 v11;
	s24 =	sadd.s32 $0x80, s24  }
0x66: {  	[tilespmem:s22+$0x30] =	vst v10;
	v8 =	vpack.i.b32.b16 v11, v8  }
0x67: {  	v51 =	vunpack.i.l.s16.s32 v4;
	v7 =	vpack.i.b32.b16 v9, v7;
	[tilespmem:s22+$0xFFFFFE40] =	vst v8;
	v52 =	vunpack.i.l.s16.s32 v6  }
0x68: {  	v53 =	vunpack.i.u.s16.s32 v4;
	v54 =	vunpack.i.u.s16.s32 v6;
	[tilespmem:s22+$0x40] =	vst v7;
	v55 =	vpack.i.b32.b16 v52, v51  }
0x69: {  	p0 =	slt.u32 s20, $0x6;
	v56 =	vunpack.i.l.s16.s32 v2;
	v4 =	vpack.i.b32.b16 v54, v53;
	[tilespmem:s22+$0xFFFFFE50] =	vst v55;
	v57 =	vunpack.i.l.s16.s32 v3  }
.Ltmp4:
0x6a: {  	[tilespmem:s22+$0x50] =	vst v4;
	v58 =	vunpack.i.l.s16.s32 v5;
	v59 =	vpack.i.b32.b16 v57, v56;
	(pc) =	sbr.rel @p0 .LBB1_3-.Ltmp4, $4  }
0x6b: {  	v61 =	vunpack.i.u.s16.s32 v2;
	v62 =	vunpack.i.u.s16.s32 v3;
	v1 =	vpack.i.b32.b16 v1, v58;
	[tilespmem:s22+$0xFFFFFE60] =	vst v59  }
0x6c: {  	v60 =	vunpack.i.u.s16.s32 v5;
	v63 =	vpack.i.b32.b16 v62, v61;
	[tilespmem:s22+$0xFFFFFE00] =	vst v1  }
0x6d: {  	s31 =	sadd.s32 $0x2, s20;
	v0 =	vpack.i.b32.b16 v0, v60;
	[tilespmem:s21+$0x60] =	vst v63  }
0x6e: {  	s18 =	sadd.s32 $0x1000, s18;
	s19 =	sadd.s32 $0x80, s19;
	s20 =	smov.u32 s31;
	[tilespmem:s21+$0x0] =	vst v0  }
0x6f: {  	s18 =	sshrl.u32 s16, $0x3  }
0x70: {  	s19 =	sshll.u32 s15, $0x3;
	s18 =	smul.u32 $0x11400, s18  }
0x71: {  	s20 =	sshll.u32 s16, $0x7;
	s19 =	sand.u32 $0xFFFFFC00, s19  }
0x72: {  	s25 =	sshll.u32 s15, $0x1;
	s24 =	sand.u32 $0x300, s20;
	s18 =	sadd.s32 s18, s19  }
0x73: {  	s15 =	sand.u32 $0xFE, s25;
	s18 =	sor.u32 s24, s18  }
0x74: {  	s15 =	sor.u32 s15, s18  }
0x75: {  	s18 =	smulhi.u32 $0x76B981DB, s15;
	_ =	sdelay $0x1  }
0x76: {  	s26 =	sand.u32 $0x1, s16;
	s18 =	sshrl.u32 s18, $0xC  }
0x77: {  	s15 =	sor.u32 s26, s15;
	s27 =	smulhi.u32 $0x2E8BA2F, s18  }
0x78: {  	s16 =	smulhi.u32 $0x76B981DB, s15  }
0x79: {  	s19 =	smul.u32 $0x58, s27  }
0x7a: {  	s14 =	smul.u32 $0xBDC0, s14;
	s16 =	sshrl.u32 s16, $0xC  }
0x7b: {  	s16 =	smul.u32 $0x2280, s16;
	s18 =	ssub.s32 s18, s19  }
0x7c: {  	s28 =	smul.u32 $0x228, s18  }
.Ltmp5:
0x7d: {  	s15 =	ssub.s32 s15, s16;
	(pc) =	sbr.rel .LBB1_7-.Ltmp5, $4  }
0x7e: {  	s14 =	sadd.s32 s5, s14;
	s29 =	sshll.u32 s15, $0x11  }
0x7f: {  	s15 =	sshrl.u32 s15, $0x4;
	s30 =	sand.u32 $0x1C0000, s29;
	s14 =	sadd.s32 s28, s14  }
0x80: {  	s31 =	sor.u32 $0x200, s30;
	s14 =	sadd.s32 s15, s14  }
0x81: {  	[hbm4b:s14+s31] =	stream.strided.scatter [tilespmem:s17], [sflag:$0x2], $0x4000, s8, s31, $0x38;
	[tilespmem:$0x10000] =	vst v63  }
.LBB1_8:
0x82: {  	_ =	sfence.sel $0x180000  }
0x83: {  	s2 =	simm.s32 $0x1;
	[bflag:$0x0] =	sbarrier.arrive $0xFFFF  }
0x84: {  	s31 =	simm.s32 $0x2;
	[sflag:s2] =	ssyncpa.u1 $0x1  }
0x85: {  	[sflag:s31] =	ssyncpa.u1 $0x1  }
0x86: {  	p0 =	sne.s32 s0, $0x0;
	_ =	strace $0x90000047  }
0x87: {  	s0 =	sadd.s32 @!p0 $0x100000, s1;
	[bflag:$0x2] =	sbarrier.arrive $0xFFFF  }
0x88: {  	[sflag:s0] =	ssyncadd.tile.s32 @!p0 $0x1;
	_ =	shalt  }
.Lfunc_end1:
_tile_overlayer_lowered:
.L_overlay_start_2:
0x89: {  	(tag) =	ssettag $0x2  }
0x8a: {  	s0 =	rddreg [dreg:$0x0];
	s2 =	stileid.u32  }
0x8b: {  	s1 =	rddreg [dreg:$0x1];
	p0 =	sne.s32 s2, $0x0  }
0x8c: {  	s3 =	rddreg [dreg:$0x2];
	[bflag:$0x3] =	sbarrier.arrive $0xFFFF;
	s2 =	simm.s32 @!p0 $0x1C01  }
0x8d: {  	[timem:s3], [sflag:s2] =	dma.local @!p0 [hbm:s0], s1  }
0x8e: {  	s0 =	simm.s32 @!p0 $0x1  }
0x8f: {  	_ =	swait.ge @!p0 [sflag:s0], s1  }
0x90: {  	s1 =	ssub.s32 @!p0 $0x0, s1;
	[sflag:s0] =	ssyncset.done @!p0 $0x0  }
0x91: {  	[sflag:s0] =	ssyncadd.s32 @!p0 s1  }
0x92: {  	[bflag:$0x3] =	sbarrier.arrive $0xFFFF  }
0x93: {  	_ =	shalt  }

</sc_bundles>
